<compile_context>
chip_gen: v7x
topology: tpu7x:2x2x1
jax: 0.10.2.dev20260603
libtpu: 0.0.44.dev20260713+nightly
codegen_flags: <defaults>
</compile_context>

<pallas_src>
import functools

import jax
import jax.numpy as jnp
from jax import lax
from jax.experimental import pallas as pl
from jax.experimental.pallas import tpu as pltpu
from jax.experimental.pallas import tpu_sc as plsc

N_PTS = 100000
N_VERTS = 6890
N_JOINTS = 24

NPAD = 102400
VPAD = 6912
PBLK = 1024
PBLK2 = 2048
GW = 32

NW = 32
BPW = NPAD // NW
GRP = 128
NGRP = BPW // GRP

_NEG = -3.0e38


def _knn_kernel(xyz_ref, vt_ref, sw_ref, bt_ref, verts_ref,
                i1_ref, i2_ref, g_ref):
    x = xyz_ref[...]
    vt = vt_ref[...]
    xh = jnp.concatenate([x, jnp.ones((PBLK, 1), jnp.float32)], axis=1)
    vsq = vt[0:1] * vt[0:1] + vt[1:2] * vt[1:2] + vt[2:3] * vt[2:3]
    vext = jnp.concatenate([vt, -0.5 * vsq], axis=0)

    lane = lax.broadcasted_iota(jnp.int32, (PBLK, 128), 1)
    m1 = jnp.full((PBLK, 128), _NEG, jnp.float32)
    m2 = jnp.full((PBLK, 128), _NEG, jnp.float32)
    t1 = jnp.zeros((PBLK, 128), jnp.int32)
    t2 = jnp.zeros((PBLK, 128), jnp.int32)
    nslab = VPAD // 128
    chunk_slabs = 9
    for c0 in range(0, nslab, chunk_slabs):
        sc = jnp.dot(xh, vext[:, 128 * c0:128 * (c0 + chunk_slabs)],
                     preferred_element_type=jnp.float32,
                     precision=lax.Precision.HIGHEST)
        for dt in range(chunk_slabs):
            t = c0 + dt
            st = sc[:, 128 * dt:128 * (dt + 1)]
            if (t + 1) * 128 > N_VERTS:
                st = jnp.where(lane >= N_VERTS - 128 * t, _NEG, st)
            g1 = st > m1
            g2 = st > m2
            m2 = jnp.where(g1, m1, jnp.where(g2, st, m2))
            t2 = jnp.where(g1, t1, jnp.where(g2, t, t2))
            m1 = jnp.where(g1, st, m1)
            t1 = jnp.where(g1, t, t1)

    def first_lane(vals, mx):
        return jnp.min(jnp.where(vals == mx, lane, 128), axis=1,
                       keepdims=True)

    def extract_i(arr, oh):
        return jnp.sum(jnp.where(oh, arr, 0), axis=1, keepdims=True)

    mx1 = jnp.max(m1, axis=1, keepdims=True)
    l1 = first_lane(m1, mx1)
    oh1 = lane == l1
    m1m = jnp.where(oh1, _NEG, m1)
    mx1b = jnp.max(m1m, axis=1, keepdims=True)
    l2 = first_lane(m1m, mx1b)
    oh2 = lane == l2
    val_a = extract_i(m2, oh1)
    slab_a = extract_i(t2, oh1)
    slab_b = extract_i(t1, oh2)
    c1 = extract_i(t1, oh1) * 128 + l1
    use_a = val_a >= mx1b
    c2 = jnp.where(use_a, slab_a * 128 + l1, slab_b * 128 + l2)
    i1_ref[...] = c1[:, 0]
    i2_ref[...] = c2[:, 0]

    @pl.when(pl.program_id(0) == 0)
    def _build_table():
        t_all = jnp.dot(sw_ref[...], bt_ref[...],
                        preferred_element_type=jnp.float32,
                        precision=lax.Precision.HIGHEST)
        idxf = lax.broadcasted_iota(jnp.int32, (N_VERTS, 1), 0)
        g_ref[...] = jnp.concatenate(
            [t_all, verts_ref[...], idxf.astype(jnp.float32),
             jnp.zeros((N_VERTS, GW - 20), jnp.float32)], axis=1)


def _knn_call(xyz_pad, verts_t, sw, bt16, verts):
    return pl.pallas_call(
        _knn_kernel,
        grid=(NPAD // PBLK,),
        in_specs=[
            pl.BlockSpec((PBLK, 3), lambda i: (i, 0)),
            pl.BlockSpec((3, VPAD), lambda i: (0, 0)),
            pl.BlockSpec((N_VERTS, N_JOINTS), lambda i: (0, 0)),
            pl.BlockSpec((N_JOINTS, 16), lambda i: (0, 0)),
            pl.BlockSpec((N_VERTS, 3), lambda i: (0, 0)),
        ],
        out_specs=[
            pl.BlockSpec((PBLK,), lambda i: (i,)),
            pl.BlockSpec((PBLK,), lambda i: (i,)),
            pl.BlockSpec((N_VERTS, GW), lambda i: (0, 0)),
        ],
        out_shape=[
            jax.ShapeDtypeStruct((NPAD,), jnp.int32),
            jax.ShapeDtypeStruct((NPAD,), jnp.int32),
            jax.ShapeDtypeStruct((N_VERTS, GW), jnp.float32),
        ],
    )(xyz_pad, verts_t, sw, bt16, verts)


def _sc_gather(g, i1, i2):
    mesh = plsc.VectorSubcoreMesh(core_axis_name="c", subcore_axis_name="s")

    @functools.partial(
        pl.kernel, mesh=mesh,
        compiler_params=pltpu.CompilerParams(use_tc_tiling_on_sc=False),
        out_type=[jax.ShapeDtypeStruct((NPAD, GW), jnp.float32),
                  jax.ShapeDtypeStruct((NPAD, GW), jnp.float32)],
        scratch_types=[
            pltpu.VMEM((BPW,), jnp.int32),
            pltpu.VMEM((BPW,), jnp.int32),
            pltpu.VMEM((GRP, GW), jnp.float32),
            pltpu.VMEM((GRP, GW), jnp.float32),
            pltpu.SemaphoreType.DMA,
            pltpu.SemaphoreType.DMA,
        ],
    )
    def body(g_hbm, i1_hbm, i2_hbm, o1_hbm, o2_hbm,
             idx1_v, idx2_v, rows1_v, rows2_v, sem1, sem2):
        wid = lax.axis_index("s") * 2 + lax.axis_index("c")
        base = pl.multiple_of(wid * BPW, GRP)
        pltpu.sync_copy(i1_hbm.at[pl.ds(base, BPW)], idx1_v)
        pltpu.sync_copy(i2_hbm.at[pl.ds(base, BPW)], idx2_v)

        def step(j, carry):
            off = pl.multiple_of(j * GRP, GRP)
            dst = pl.multiple_of(base + j * GRP, GRP)
            c1 = pltpu.async_copy(g_hbm.at[idx1_v.at[pl.ds(off, GRP)]],
                                  rows1_v, sem1)
            c2 = pltpu.async_copy(g_hbm.at[idx2_v.at[pl.ds(off, GRP)]],
                                  rows2_v, sem2)
            c1.wait()
            c2.wait()
            pltpu.sync_copy(rows1_v, o1_hbm.at[pl.ds(dst, GRP)])
            pltpu.sync_copy(rows2_v, o2_hbm.at[pl.ds(dst, GRP)])
            return carry

        lax.fori_loop(0, NGRP, step, 0)

    return body(g, i1, i2)


def _finish_kernel(xyz_ref, rot_ref, g1_ref, g2_ref, xb_ref, rb_ref):
    x = xyz_ref[0:1, :]
    y = xyz_ref[1:2, :]
    z = xyz_ref[2:3, :]
    g1 = g1_ref[...]
    g2 = g2_ref[...]

    def dist(g):
        dx = x - g[16:17, :]
        dy = y - g[17:18, :]
        dz = z - g[18:19, :]
        return dx * dx + dy * dy + dz * dz

    d1 = dist(g1)
    d2 = dist(g2)
    id1 = g1[19:20, :]
    id2 = g2[19:20, :]
    pick1 = (d1 < d2) | ((d1 == d2) & (id1 <= id2))
    tc = [jnp.where(pick1, g1[k:k + 1, :], g2[k:k + 1, :]) for k in range(16)]

    xb0 = tc[0] * x + tc[1] * y + tc[2] * z + tc[3]
    xb1 = tc[4] * x + tc[5] * y + tc[6] * z + tc[7]
    xb2 = tc[8] * x + tc[9] * y + tc[10] * z + tc[11]
    xb_ref[...] = jnp.concatenate([xb0, xb1, xb2], axis=0)

    r0 = rot_ref[0:1, :]
    r1 = rot_ref[1:2, :]
    r2 = rot_ref[2:3, :]
    r3 = rot_ref[3:4, :]
    nrm = jnp.sqrt(r0 * r0 + r1 * r1 + r2 * r2 + r3 * r3)
    qw = r0 / nrm
    qx = r1 / nrm
    qy = r2 / nrm
    qz = r3 / nrm
    R = [
        1 - 2 * (qy * qy + qz * qz), 2 * (qx * qy - qw * qz), 2 * (qx * qz + qw * qy),
        2 * (qx * qy + qw * qz), 1 - 2 * (qx * qx + qz * qz), 2 * (qy * qz - qw * qx),
        2 * (qx * qz - qw * qy), 2 * (qy * qz + qw * qx), 1 - 2 * (qx * qx + qy * qy),
    ]
    rb = []
    for rr in range(3):
        for cc in range(3):
            rb.append(tc[4 * rr] * R[cc] + tc[4 * rr + 1] * R[3 + cc]
                      + tc[4 * rr + 2] * R[6 + cc])
    rb_ref[...] = jnp.concatenate(rb, axis=0)


LBLK = 6400


def _finish_call(xyz_t, rot_t, g1t, g2t):
    return pl.pallas_call(
        _finish_kernel,
        grid=(NPAD // LBLK,),
        in_specs=[
            pl.BlockSpec((3, LBLK), lambda i: (0, i)),
            pl.BlockSpec((4, LBLK), lambda i: (0, i)),
            pl.BlockSpec((GW, LBLK), lambda i: (0, i)),
            pl.BlockSpec((GW, LBLK), lambda i: (0, i)),
        ],
        out_specs=[
            pl.BlockSpec((3, LBLK), lambda i: (0, i)),
            pl.BlockSpec((9, LBLK), lambda i: (0, i)),
        ],
        out_shape=[
            jax.ShapeDtypeStruct((3, NPAD), jnp.float32),
            jax.ShapeDtypeStruct((9, NPAD), jnp.float32),
        ],
    )(xyz_t, rot_t, g1t, g2t)


def kernel(xyz, rotation, bone_transforms, smpl_verts, skinning_weights):
    n = xyz.shape[0]
    xyz_pad = jnp.pad(xyz, ((0, NPAD - n), (0, 0)))
    rot_pad = jnp.pad(rotation, ((0, NPAD - n), (0, 0)), constant_values=1.0)
    verts_t = jnp.pad(smpl_verts.T, ((0, 0), (0, VPAD - N_VERTS)))
    bt16 = bone_transforms.reshape(N_JOINTS, 16)

    i1, i2, g = _knn_call(xyz_pad, verts_t, skinning_weights, bt16, smpl_verts)
    g1, g2 = _sc_gather(g, i1, i2)
    xb_t, rb_t = _finish_call(xyz_pad.T, rot_pad.T, g1.T, g2.T)
    return xb_t.T[:n], rb_t.T[:n].reshape(n, 3, 3)

# --- scband reference (transcript-rebuilt; emitter-appended) ---
"""Pipeline reference for scband-smplnn-18356690223673 (READ-ONLY COPY).

The authoritative reference and input builder live on the scoring server;
editing this copy changes nothing except your own understanding.
"""

import jax, jax.numpy as jnp
import numpy as np

N = 100000
CHUNK = 10000
N_VERTS = 6890
N_JOINTS = 24


def build_rotation(r):
    norm = jnp.sqrt(jnp.sum(r * r, axis=-1, keepdims=True))
    q = r / norm
    rw, x, y, z = q[:, 0], q[:, 1], q[:, 2], q[:, 3]
    R = jnp.stack([
        1 - 2 * (y * y + z * z), 2 * (x * y - rw * z), 2 * (x * z + rw * y),
        2 * (x * y + rw * z), 1 - 2 * (x * x + z * z), 2 * (y * z - rw * x),
        2 * (x * z - rw * y), 2 * (y * z + rw * x), 1 - 2 * (x * x + y * y)
    ], axis=-1).reshape(-1, 3, 3)
    return R


def knn1_idx(xyz, verts):
    # brute-force 1-NN (knn_points with K=1), chunked over queries to bound memory
    def chunk_fn(xc):
        d = jnp.sum((xc[:, None, :] - verts[None, :, :]) ** 2, axis=-1)
        return jnp.argmin(d, axis=-1)
    n = xyz.shape[0]
    xs = xyz.reshape(n // CHUNK, CHUNK, xyz.shape[1])
    return jax.lax.map(chunk_fn, xs).reshape(-1)


def setup_inputs(seed: int = 0):
    key = jax.random.key(seed)
    k1, k2, k3, k4, k5 = jax.random.split(key, 5)
    xyz = jax.random.normal(k1, (N, 3), dtype=jnp.float32)
    rotation = jax.random.normal(k2, (N, 4), dtype=jnp.float32)
    bone_transforms = jax.random.normal(k3, (N_JOINTS, 4, 4), dtype=jnp.float32)
    smpl_verts = jax.random.normal(k4, (N_VERTS, 3), dtype=jnp.float32)
    sw = jax.random.uniform(k5, (N_VERTS, N_JOINTS), dtype=jnp.float32)
    skinning_weights = sw / jnp.sum(sw, axis=-1, keepdims=True)
    return {
        'xyz': xyz,
        'rotation': rotation,
        'bone_transforms': bone_transforms,
        'smpl_verts': smpl_verts,
        'skinning_weights': skinning_weights,
    }


def reference(xyz, rotation, bone_transforms, smpl_verts, skinning_weights):
    # query_weights: 1-NN against SMPL verts, gather skinning weights
    p_idx = knn1_idx(xyz, smpl_verts)
    pts_W = jnp.take(skinning_weights, p_idx, axis=0)  # [N, 24]
    n_pts = xyz.shape[0]
    # blend bone transforms: [N,24] @ [24,16] -> [N,4,4]
    T_fwd = jnp.matmul(pts_W, bone_transforms.reshape(-1, 16)).reshape(n_pts, 4, 4)
    homo_coord = jnp.ones((n_pts, 1), dtype=jnp.float32)
    x_hat_homo = jnp.concatenate([xyz, homo_coord], axis=-1).reshape(n_pts, 4, 1)
    x_bar = jnp.matmul(T_fwd, x_hat_homo)[:, :3, 0]
    rotation_hat = build_rotation(rotation)
    rotation_bar = jnp.matmul(T_fwd[:, :3, :3], rotation_hat)
    return (x_bar, rotation_bar)

if __name__ == "__main__":
    import jax
    _d = setup_inputs()
    print(jax.jit(kernel)(*tuple(_d.values())))

</pallas_src>

<mosaic_0001>
#map = affine_map<(d0, d1) -> (0, 0)>
#map1 = affine_map<(d0, d1) -> (0)>
module attributes {stable_mosaic.version = 14 : i64} {
  func.func @body(%arg0: i32, %arg1: i32, %arg2: memref<6890x32xf32, #tpu.memory_space<hbm>>, %arg3: memref<102400xi32, #tpu.memory_space<hbm>>, %arg4: memref<102400xi32, #tpu.memory_space<hbm>>, %arg5: memref<102400x32xf32, #tpu.memory_space<hbm>>, %arg6: memref<102400x32xf32, #tpu.memory_space<hbm>>, %arg7: memref<3200xi32, #tpu.memory_space<vmem>>, %arg8: memref<3200xi32, #tpu.memory_space<vmem>>, %arg9: memref<128x32xf32, #tpu.memory_space<vmem>>, %arg10: memref<128x32xf32, #tpu.memory_space<vmem>>, %arg11: memref<!tpu.dma_semaphore, #tpu.memory_space<semaphore_mem>>, %arg12: memref<!tpu.dma_semaphore, #tpu.memory_space<semaphore_mem>>) attributes {dimension_semantics = [#tpu.dimension_semantics<core_parallel>, #tpu.dimension_semantics<subcore_parallel>], iteration_bounds = array<i64: 2, 16>, scalar_prefetch = 0 : i64, scratch_operands = 6 : i64, tpu.core_type = #tpu.core_type<sc_vector_subcore>, window_params = [{transform_indices = #map}, {transform_indices = #map1}, {transform_indices = #map1}, {transform_indices = #map}, {transform_indices = #map}]} {
    %mul3A = arith.constant 2 : i32
    %mul3A_0 = arith.muli %arg1, %mul3A : i32
    %add3A = arith.addi %mul3A_0, %arg0 : i32
    %mul3A_1 = arith.constant 3200 : i32
    %mul3A_2 = arith.muli %add3A, %mul3A_1 : i32
    %multiple_of3A = tpu.assume_multiple %mul3A_2, 128 : i32
    "tpu.region"() ({
      %run_scoped3A = tpu.sem_alloc : memref<!tpu.dma_semaphore, #tpu.memory_space<semaphore_mem>>
      %dma_start3A = tpu.memref_slice %arg3[%multiple_of3A] : memref<102400xi32, #tpu.memory_space<hbm>> -> memref<3200xi32, #tpu.memory_space<hbm>>
      %dma_start3A_8 = tpu.memref_slice %arg3[%multiple_of3A] : memref<102400xi32, #tpu.memory_space<hbm>> -> memref<3200xi32, #tpu.memory_space<hbm>>
      tpu.enqueue_dma source(%dma_start3A_8 : memref<3200xi32, #tpu.memory_space<hbm>>) target(%arg7 : memref<3200xi32, #tpu.memory_space<vmem>>) target_semaphore(%run_scoped3A : memref<!tpu.dma_semaphore, #tpu.memory_space<semaphore_mem>>)
      %dma_wait3A = tpu.memref_slice %arg3[%multiple_of3A] : memref<102400xi32, #tpu.memory_space<hbm>> -> memref<3200xi32, #tpu.memory_space<hbm>>
      %dma_wait3A_9 = tpu.memref_slice %arg3[%multiple_of3A] : memref<102400xi32, #tpu.memory_space<hbm>> -> memref<3200xi32, #tpu.memory_space<hbm>>
      tpu.wait_dma2 semaphore(%run_scoped3A : memref<!tpu.dma_semaphore, #tpu.memory_space<semaphore_mem>>) src(%dma_wait3A_9 : memref<3200xi32, #tpu.memory_space<hbm>>) dst(%arg7 : memref<3200xi32, #tpu.memory_space<vmem>>)
      tpu.yield
    }) : () -> ()
    "tpu.region"() ({
      %run_scoped3A = tpu.sem_alloc : memref<!tpu.dma_semaphore, #tpu.memory_space<semaphore_mem>>
      %dma_start3A = tpu.memref_slice %arg4[%multiple_of3A] : memref<102400xi32, #tpu.memory_space<hbm>> -> memref<3200xi32, #tpu.memory_space<hbm>>
      %dma_start3A_8 = tpu.memref_slice %arg4[%multiple_of3A] : memref<102400xi32, #tpu.memory_space<hbm>> -> memref<3200xi32, #tpu.memory_space<hbm>>
      tpu.enqueue_dma source(%dma_start3A_8 : memref<3200xi32, #tpu.memory_space<hbm>>) target(%arg8 : memref<3200xi32, #tpu.memory_space<vmem>>) target_semaphore(%run_scoped3A : memref<!tpu.dma_semaphore, #tpu.memory_space<semaphore_mem>>)
      %dma_wait3A = tpu.memref_slice %arg4[%multiple_of3A] : memref<102400xi32, #tpu.memory_space<hbm>> -> memref<3200xi32, #tpu.memory_space<hbm>>
      %dma_wait3A_9 = tpu.memref_slice %arg4[%multiple_of3A] : memref<102400xi32, #tpu.memory_space<hbm>> -> memref<3200xi32, #tpu.memory_space<hbm>>
      tpu.wait_dma2 semaphore(%run_scoped3A : memref<!tpu.dma_semaphore, #tpu.memory_space<semaphore_mem>>) src(%dma_wait3A_9 : memref<3200xi32, #tpu.memory_space<hbm>>) dst(%arg8 : memref<3200xi32, #tpu.memory_space<vmem>>)
      tpu.yield
    }) : () -> ()
    %scan3A = arith.constant 0 : i32
    %scan3A_3 = arith.constant 0 : i32
    %scan3A_4 = arith.constant 25 : i32
    %scan3A_5 = arith.addi %scan3A_3, %scan3A_4 : i32
    %scan3A_6 = arith.constant 1 : i32
    scf.for %scan3A_8 = %scan3A_3 to %scan3A_5 step %scan3A_6  : i32 {
      %mul3A_9 = arith.constant 128 : i32
      %mul3A_10 = arith.muli %scan3A_8, %mul3A_9 : i32
      %multiple_of3A_11 = tpu.assume_multiple %mul3A_10, 128 : i32
      %mul3A_12 = arith.constant 128 : i32
      %mul3A_13 = arith.muli %scan3A_8, %mul3A_12 : i32
      %add3A_14 = arith.addi %multiple_of3A, %mul3A_13 : i32
      %multiple_of3A_15 = tpu.assume_multiple %add3A_14, 128 : i32
      %dma_start3A = tpu.memref_slice %arg7[%multiple_of3A_11] : memref<3200xi32, #tpu.memory_space<vmem>> -> memref<128xi32, #tpu.memory_space<vmem>>
      %dma_start3A_16 = arith.constant 0 : i32
      %dma_start3A_17 = arith.constant 0 : i32
      %dma_start3A_18 = tpu.memref_slice %arg2[%dma_start3A_16, %dma_start3A_17] : memref<6890x32xf32, #tpu.memory_space<hbm>> -> memref<6890x32xf32, #tpu.memory_space<hbm>>
      tpu.enqueue_indirect_dma source(%dma_start3A_18 : memref<6890x32xf32, #tpu.memory_space<hbm>>) target(%arg9 : memref<128x32xf32, #tpu.memory_space<vmem>>) offsets(%dma_start3A : memref<128xi32, #tpu.memory_space<vmem>>) semaphore(%arg11 : memref<!tpu.dma_semaphore, #tpu.memory_space<semaphore_mem>>)
      %dma_start3A_19 = tpu.memref_slice %arg8[%multiple_of3A_11] : memref<3200xi32, #tpu.memory_space<vmem>> -> memref<128xi32, #tpu.memory_space<vmem>>
      %dma_start3A_20 = arith.constant 0 : i32
      %dma_start3A_21 = arith.constant 0 : i32
      %dma_start3A_22 = tpu.memref_slice %arg2[%dma_start3A_20, %dma_start3A_21] : memref<6890x32xf32, #tpu.memory_space<hbm>> -> memref<6890x32xf32, #tpu.memory_space<hbm>>
      tpu.enqueue_indirect_dma source(%dma_start3A_22 : memref<6890x32xf32, #tpu.memory_space<hbm>>) target(%arg10 : memref<128x32xf32, #tpu.memory_space<vmem>>) offsets(%dma_start3A_19 : memref<128xi32, #tpu.memory_space<vmem>>) semaphore(%arg12 : memref<!tpu.dma_semaphore, #tpu.memory_space<semaphore_mem>>)
      %dma_wait3A = tpu.memref_slice %arg7[%multiple_of3A_11] : memref<3200xi32, #tpu.memory_space<vmem>> -> memref<128xi32, #tpu.memory_space<vmem>>
      %dma_wait3A_23 = arith.constant 0 : i32
      %dma_wait3A_24 = arith.constant 0 : i32
      %dma_wait3A_25 = tpu.memref_slice %arg2[%dma_wait3A_23, %dma_wait3A_24] : memref<6890x32xf32, #tpu.memory_space<hbm>> -> memref<6890x32xf32, #tpu.memory_space<hbm>>
      tpu.wait_indirect_dma semaphore(%arg11 : memref<!tpu.dma_semaphore, #tpu.memory_space<semaphore_mem>>) src(%dma_wait3A_25 : memref<6890x32xf32, #tpu.memory_space<hbm>>) dst(%arg9 : memref<128x32xf32, #tpu.memory_space<vmem>>)
      %dma_wait3A_26 = tpu.memref_slice %arg8[%multiple_of3A_11] : memref<3200xi32, #tpu.memory_space<vmem>> -> memref<128xi32, #tpu.memory_space<vmem>>
      %dma_wait3A_27 = arith.constant 0 : i32
      %dma_wait3A_28 = arith.constant 0 : i32
      %dma_wait3A_29 = tpu.memref_slice %arg2[%dma_wait3A_27, %dma_wait3A_28] : memref<6890x32xf32, #tpu.memory_space<hbm>> -> memref<6890x32xf32, #tpu.memory_space<hbm>>
      tpu.wait_indirect_dma semaphore(%arg12 : memref<!tpu.dma_semaphore, #tpu.memory_space<semaphore_mem>>) src(%dma_wait3A_29 : memref<6890x32xf32, #tpu.memory_space<hbm>>) dst(%arg10 : memref<128x32xf32, #tpu.memory_space<vmem>>)
      "tpu.region"() ({
        %run_scoped3A = tpu.sem_alloc : memref<!tpu.dma_semaphore, #tpu.memory_space<semaphore_mem>>
        %dma_start3A_30 = arith.constant 0 : i32
        %dma_start3A_31 = tpu.memref_slice %arg5[%multiple_of3A_15, %dma_start3A_30] : memref<102400x32xf32, #tpu.memory_space<hbm>> -> memref<128x32xf32, #tpu.memory_space<hbm>>
        %dma_start3A_32 = arith.constant 0 : i32
        %dma_start3A_33 = tpu.memref_slice %arg5[%multiple_of3A_15, %dma_start3A_32] : memref<102400x32xf32, #tpu.memory_space<hbm>> -> memref<128x32xf32, #tpu.memory_space<hbm>>
        tpu.enqueue_dma source(%arg9 : memref<128x32xf32, #tpu.memory_space<vmem>>) target(%dma_start3A_33 : memref<128x32xf32, #tpu.memory_space<hbm>>) target_semaphore(%run_scoped3A : memref<!tpu.dma_semaphore, #tpu.memory_space<semaphore_mem>>)
        %dma_wait3A_34 = arith.constant 0 : i32
        %dma_wait3A_35 = tpu.memref_slice %arg5[%multiple_of3A_15, %dma_wait3A_34] : memref<102400x32xf32, #tpu.memory_space<hbm>> -> memref<128x32xf32, #tpu.memory_space<hbm>>
        %dma_wait3A_36 = arith.constant 0 : i32
        %dma_wait3A_37 = tpu.memref_slice %arg5[%multiple_of3A_15, %dma_wait3A_36] : memref<102400x32xf32, #tpu.memory_space<hbm>> -> memref<128x32xf32, #tpu.memory_space<hbm>>
        tpu.wait_dma2 semaphore(%run_scoped3A : memref<!tpu.dma_semaphore, #tpu.memory_space<semaphore_mem>>) src(%arg9 : memref<128x32xf32, #tpu.memory_space<vmem>>) dst(%dma_wait3A_37 : memref<128x32xf32, #tpu.memory_space<hbm>>)
        tpu.yield
      }) : () -> ()
      "tpu.region"() ({
        %run_scoped3A = tpu.sem_alloc : memref<!tpu.dma_semaphore, #tpu.memory_space<semaphore_mem>>
        %dma_start3A_30 = arith.constant 0 : i32
        %dma_start3A_31 = tpu.memref_slice %arg6[%multiple_of3A_15, %dma_start3A_30] : memref<102400x32xf32, #tpu.memory_space<hbm>> -> memref<128x32xf32, #tpu.memory_space<hbm>>
        %dma_start3A_32 = arith.constant 0 : i32
        %dma_start3A_33 = tpu.memref_slice %arg6[%multiple_of3A_15, %dma_start3A_32] : memref<102400x32xf32, #tpu.memory_space<hbm>> -> memref<128x32xf32, #tpu.memory_space<hbm>>
        tpu.enqueue_dma source(%arg10 : memref<128x32xf32, #tpu.memory_space<vmem>>) target(%dma_start3A_33 : memref<128x32xf32, #tpu.memory_space<hbm>>) target_semaphore(%run_scoped3A : memref<!tpu.dma_semaphore, #tpu.memory_space<semaphore_mem>>)
        %dma_wait3A_34 = arith.constant 0 : i32
        %dma_wait3A_35 = tpu.memref_slice %arg6[%multiple_of3A_15, %dma_wait3A_34] : memref<102400x32xf32, #tpu.memory_space<hbm>> -> memref<128x32xf32, #tpu.memory_space<hbm>>
        %dma_wait3A_36 = arith.constant 0 : i32
        %dma_wait3A_37 = tpu.memref_slice %arg6[%multiple_of3A_15, %dma_wait3A_36] : memref<102400x32xf32, #tpu.memory_space<hbm>> -> memref<128x32xf32, #tpu.memory_space<hbm>>
        tpu.wait_dma2 semaphore(%run_scoped3A : memref<!tpu.dma_semaphore, #tpu.memory_space<semaphore_mem>>) src(%arg10 : memref<128x32xf32, #tpu.memory_space<vmem>>) dst(%dma_wait3A_37 : memref<128x32xf32, #tpu.memory_space<hbm>>)
        tpu.yield
      }) : () -> ()
    }
    %scan3A_7 = arith.constant 25 : i32
    return
  }
}

module attributes {stable_mosaic.version = 14 : i64} {
  func.func @_knn_kernel(%arg0: i32, %arg1: memref<1024x3xf32, #tpu.memory_space<vmem>>, %arg2: memref<3x6912xf32, #tpu.memory_space<vmem>>, %arg3: memref<6890x24xf32, #tpu.memory_space<vmem>>, %arg4: memref<24x16xf32, #tpu.memory_space<vmem>>, %arg5: memref<6890x3xf32, #tpu.memory_space<vmem>>, %arg6: memref<1024xi32, #tpu.memory_space<vmem>>, %arg7: memref<1024xi32, #tpu.memory_space<vmem>>, %arg8: memref<6890x32xf32, #tpu.memory_space<vmem>>) attributes {dimension_semantics = [#tpu.dimension_semantics<arbitrary>], iteration_bounds = array<i64: 100>, scalar_prefetch = 0 : i64, scratch_operands = 0 : i64, tpu.core_type = #tpu.core_type<tc>, window_params = [{transform_indices = @transform_0, window_bounds = array<i64: 1024, 3>}, {pipeline_mode = #tpu.pipeline_mode<synchronous>, transform_indices = @transform_1, window_bounds = array<i64: 3, 6912>}, {pipeline_mode = #tpu.pipeline_mode<synchronous>, transform_indices = @transform_2, window_bounds = array<i64: 6890, 24>}, {pipeline_mode = #tpu.pipeline_mode<synchronous>, transform_indices = @transform_3, window_bounds = array<i64: 24, 16>}, {pipeline_mode = #tpu.pipeline_mode<synchronous>, transform_indices = @transform_4, window_bounds = array<i64: 6890, 3>}, {transform_indices = @transform_5, window_bounds = array<i64: 1024>}, {transform_indices = @transform_6, window_bounds = array<i64: 1024>}, {pipeline_mode = #tpu.pipeline_mode<synchronous>, transform_indices = @transform_7, window_bounds = array<i64: 6890, 32>}]} {
    %get3A = arith.constant 0 : index
    %get3A_0 = arith.constant 0 : index
    %get3A_1 = vector.load %arg1[%get3A, %get3A_0] : memref<1024x3xf32, #tpu.memory_space<vmem>>, vector<1024x3xf32>
    %get3A_2 = arith.constant 0 : index
    %get3A_3 = arith.constant 0 : index
    %get3A_4 = vector.load %arg2[%get3A_2, %get3A_3] : memref<3x6912xf32, #tpu.memory_space<vmem>>, vector<3x6912xf32>
    %broadcast_in_dim3A = arith.constant 1.000000e+00 : f32
    %broadcast_in_dim3A_5 = vector.broadcast %broadcast_in_dim3A : f32 to vector<1024x1xf32>
    %concatenate3A = tpu.concatenate %get3A_1, %broadcast_in_dim3A_5 in 1 : vector<1024x3xf32>, vector<1024x1xf32> -> vector<1024x4xf32>
    %slice3A = vector.extract_strided_slice %get3A_4 {offsets = [0, 0], sizes = [1, 6912], strides = [1, 1]} : vector<3x6912xf32> to vector<1x6912xf32>
    %slice3A_6 = vector.extract_strided_slice %get3A_4 {offsets = [0, 0], sizes = [1, 6912], strides = [1, 1]} : vector<3x6912xf32> to vector<1x6912xf32>
    %mul3A = arith.mulf %slice3A, %slice3A_6 : vector<1x6912xf32>
    %slice3A_7 = vector.extract_strided_slice %get3A_4 {offsets = [1, 0], sizes = [1, 6912], strides = [1, 1]} : vector<3x6912xf32> to vector<1x6912xf32>
    %slice3A_8 = vector.extract_strided_slice %get3A_4 {offsets = [1, 0], sizes = [1, 6912], strides = [1, 1]} : vector<3x6912xf32> to vector<1x6912xf32>
    %mul3A_9 = arith.mulf %slice3A_7, %slice3A_8 : vector<1x6912xf32>
    %add3A = arith.addf %mul3A, %mul3A_9 : vector<1x6912xf32>
    %slice3A_10 = vector.extract_strided_slice %get3A_4 {offsets = [2, 0], sizes = [1, 6912], strides = [1, 1]} : vector<3x6912xf32> to vector<1x6912xf32>
    %slice3A_11 = vector.extract_strided_slice %get3A_4 {offsets = [2, 0], sizes = [1, 6912], strides = [1, 1]} : vector<3x6912xf32> to vector<1x6912xf32>
    %mul3A_12 = arith.mulf %slice3A_10, %slice3A_11 : vector<1x6912xf32>
    %add3A_13 = arith.addf %add3A, %mul3A_12 : vector<1x6912xf32>
    %mul3A_14 = arith.constant -5.000000e-01 : f32
    %mul3A_15 = vector.broadcast %mul3A_14 : f32 to vector<1x6912xf32>
    %mul3A_16 = arith.mulf %mul3A_15, %add3A_13 : vector<1x6912xf32>
    %concatenate3A_17 = tpu.concatenate %get3A_4, %mul3A_16 in 0 : vector<3x6912xf32>, vector<1x6912xf32> -> vector<4x6912xf32>
    %iota3A = tpu.iota {dimensions = array<i32: 1>} : vector<1024x128xi32>
    %broadcast_in_dim3A_18 = arith.constant -3.000000e+38 : f32
    %broadcast_in_dim3A_19 = vector.broadcast %broadcast_in_dim3A_18 : f32 to vector<1024x128xf32>
    %broadcast_in_dim3A_20 = arith.constant -3.000000e+38 : f32
    %broadcast_in_dim3A_21 = vector.broadcast %broadcast_in_dim3A_20 : f32 to vector<1024x128xf32>
    %broadcast_in_dim3A_22 = arith.constant 0 : i32
    %broadcast_in_dim3A_23 = vector.broadcast %broadcast_in_dim3A_22 : i32 to vector<1024x128xi32>
    %broadcast_in_dim3A_24 = arith.constant 0 : i32
    %broadcast_in_dim3A_25 = vector.broadcast %broadcast_in_dim3A_24 : i32 to vector<1024x128xi32>
    %slice3A_26 = vector.extract_strided_slice %concatenate3A_17 {offsets = [0, 0], sizes = [4, 1152], strides = [1, 1]} : vector<4x6912xf32> to vector<4x1152xf32>
    %dot_general3A = arith.constant dense<0.000000e+00> : vector<1024x1152xf32>
    %dot_general3A_27 = tpu.matmul %concatenate3A, %slice3A_26, %dot_general3A {dimension_numbers = #tpu.dot_dimension_numbers<[1], [0], [0], [1], [0, 0, 1, 1], [], []>, precision = #tpu.contract_precision<fp32>, transpose_lhs_hint = false} : vector<1024x4xf32>, vector<4x1152xf32>, vector<1024x1152xf32> -> vector<1024x1152xf32>
    %slice3A_28 = vector.extract_strided_slice %dot_general3A_27 {offsets = [0, 0], sizes = [1024, 128], strides = [1, 1]} : vector<1024x1152xf32> to vector<1024x128xf32>
    %gt3A = arith.cmpf ogt, %slice3A_28, %broadcast_in_dim3A_19 : vector<1024x128xf32>
    %gt3A_29 = arith.cmpf ogt, %slice3A_28, %broadcast_in_dim3A_21 : vector<1024x128xf32>
    %select_n3A = arith.select %gt3A_29, %slice3A_28, %broadcast_in_dim3A_21 : vector<1024x128xi1>, vector<1024x128xf32>
    %select_n3A_30 = arith.select %gt3A, %broadcast_in_dim3A_19, %select_n3A : vector<1024x128xi1>, vector<1024x128xf32>
    %jit3A = arith.constant 0 : i32
    %broadcast_in_dim3A_31 = vector.broadcast %jit3A : i32 to vector<1024x128xi32>
    %select_n3A_32 = arith.select %gt3A_29, %broadcast_in_dim3A_31, %broadcast_in_dim3A_25 : vector<1024x128xi1>, vector<1024x128xi32>
    %select_n3A_33 = arith.select %gt3A, %broadcast_in_dim3A_23, %select_n3A_32 : vector<1024x128xi1>, vector<1024x128xi32>
    %select_n3A_34 = arith.select %gt3A, %slice3A_28, %broadcast_in_dim3A_19 : vector<1024x128xi1>, vector<1024x128xf32>
    %jit3A_35 = arith.constant 0 : i32
    %broadcast_in_dim3A_36 = vector.broadcast %jit3A_35 : i32 to vector<1024x128xi32>
    %select_n3A_37 = arith.select %gt3A, %broadcast_in_dim3A_36, %broadcast_in_dim3A_23 : vector<1024x128xi1>, vector<1024x128xi32>
    %slice3A_38 = vector.extract_strided_slice %dot_general3A_27 {offsets = [0, 128], sizes = [1024, 128], strides = [1, 1]} : vector<1024x1152xf32> to vector<1024x128xf32>
    %gt3A_39 = arith.cmpf ogt, %slice3A_38, %select_n3A_34 : vector<1024x128xf32>
    %gt3A_40 = arith.cmpf ogt, %slice3A_38, %select_n3A_30 : vector<1024x128xf32>
    %select_n3A_41 = arith.select %gt3A_40, %slice3A_38, %select_n3A_30 : vector<1024x128xi1>, vector<1024x128xf32>
    %select_n3A_42 = arith.select %gt3A_39, %select_n3A_34, %select_n3A_41 : vector<1024x128xi1>, vector<1024x128xf32>
    %jit3A_43 = arith.constant 1 : i32
    %broadcast_in_dim3A_44 = vector.broadcast %jit3A_43 : i32 to vector<1024x128xi32>
    %select_n3A_45 = arith.select %gt3A_40, %broadcast_in_dim3A_44, %select_n3A_33 : vector<1024x128xi1>, vector<1024x128xi32>
    %select_n3A_46 = arith.select %gt3A_39, %select_n3A_37, %select_n3A_45 : vector<1024x128xi1>, vector<1024x128xi32>
    %select_n3A_47 = arith.select %gt3A_39, %slice3A_38, %select_n3A_34 : vector<1024x128xi1>, vector<1024x128xf32>
    %jit3A_48 = arith.constant 1 : i32
    %broadcast_in_dim3A_49 = vector.broadcast %jit3A_48 : i32 to vector<1024x128xi32>
    %select_n3A_50 = arith.select %gt3A_39, %broadcast_in_dim3A_49, %select_n3A_37 : vector<1024x128xi1>, vector<1024x128xi32>
    %slice3A_51 = vector.extract_strided_slice %dot_general3A_27 {offsets = [0, 256], sizes = [1024, 128], strides = [1, 1]} : vector<1024x1152xf32> to vector<1024x128xf32>
    %gt3A_52 = arith.cmpf ogt, %slice3A_51, %select_n3A_47 : vector<1024x128xf32>
    %gt3A_53 = arith.cmpf ogt, %slice3A_51, %select_n3A_42 : vector<1024x128xf32>
    %select_n3A_54 = arith.select %gt3A_53, %slice3A_51, %select_n3A_42 : vector<1024x128xi1>, vector<1024x128xf32>
    %select_n3A_55 = arith.select %gt3A_52, %select_n3A_47, %select_n3A_54 : vector<1024x128xi1>, vector<1024x128xf32>
    %jit3A_56 = arith.constant 2 : i32
    %broadcast_in_dim3A_57 = vector.broadcast %jit3A_56 : i32 to vector<1024x128xi32>
    %select_n3A_58 = arith.select %gt3A_53, %broadcast_in_dim3A_57, %select_n3A_46 : vector<1024x128xi1>, vector<1024x128xi32>
    %select_n3A_59 = arith.select %gt3A_52, %select_n3A_50, %select_n3A_58 : vector<1024x128xi1>, vector<1024x128xi32>
    %select_n3A_60 = arith.select %gt3A_52, %slice3A_51, %select_n3A_47 : vector<1024x128xi1>, vector<1024x128xf32>
    %jit3A_61 = arith.constant 2 : i32
    %broadcast_in_dim3A_62 = vector.broadcast %jit3A_61 : i32 to vector<1024x128xi32>
    %select_n3A_63 = arith.select %gt3A_52, %broadcast_in_dim3A_62, %select_n3A_50 : vector<1024x128xi1>, vector<1024x128xi32>
    %slice3A_64 = vector.extract_strided_slice %dot_general3A_27 {offsets = [0, 384], sizes = [1024, 128], strides = [1, 1]} : vector<1024x1152xf32> to vector<1024x128xf32>
    %gt3A_65 = arith.cmpf ogt, %slice3A_64, %select_n3A_60 : vector<1024x128xf32>
    %gt3A_66 = arith.cmpf ogt, %slice3A_64, %select_n3A_55 : vector<1024x128xf32>
    %select_n3A_67 = arith.select %gt3A_66, %slice3A_64, %select_n3A_55 : vector<1024x128xi1>, vector<1024x128xf32>
    %select_n3A_68 = arith.select %gt3A_65, %select_n3A_60, %select_n3A_67 : vector<1024x128xi1>, vector<1024x128xf32>
    %jit3A_69 = arith.constant 3 : i32
    %broadcast_in_dim3A_70 = vector.broadcast %jit3A_69 : i32 to vector<1024x128xi32>
    %select_n3A_71 = arith.select %gt3A_66, %broadcast_in_dim3A_70, %select_n3A_59 : vector<1024x128xi1>, vector<1024x128xi32>
    %select_n3A_72 = arith.select %gt3A_65, %select_n3A_63, %select_n3A_71 : vector<1024x128xi1>, vector<1024x128xi32>
    %select_n3A_73 = arith.select %gt3A_65, %slice3A_64, %select_n3A_60 : vector<1024x128xi1>, vector<1024x128xf32>
    %jit3A_74 = arith.constant 3 : i32
    %broadcast_in_dim3A_75 = vector.broadcast %jit3A_74 : i32 to vector<1024x128xi32>
    %select_n3A_76 = arith.select %gt3A_65, %broadcast_in_dim3A_75, %select_n3A_63 : vector<1024x128xi1>, vector<1024x128xi32>
    %slice3A_77 = vector.extract_strided_slice %dot_general3A_27 {offsets = [0, 512], sizes = [1024, 128], strides = [1, 1]} : vector<1024x1152xf32> to vector<1024x128xf32>
    %gt3A_78 = arith.cmpf ogt, %slice3A_77, %select_n3A_73 : vector<1024x128xf32>
    %gt3A_79 = arith.cmpf ogt, %slice3A_77, %select_n3A_68 : vector<1024x128xf32>
    %select_n3A_80 = arith.select %gt3A_79, %slice3A_77, %select_n3A_68 : vector<1024x128xi1>, vector<1024x128xf32>
    %select_n3A_81 = arith.select %gt3A_78, %select_n3A_73, %select_n3A_80 : vector<1024x128xi1>, vector<1024x128xf32>
    %jit3A_82 = arith.constant 4 : i32
    %broadcast_in_dim3A_83 = vector.broadcast %jit3A_82 : i32 to vector<1024x128xi32>
    %select_n3A_84 = arith.select %gt3A_79, %broadcast_in_dim3A_83, %select_n3A_72 : vector<1024x128xi1>, vector<1024x128xi32>
    %select_n3A_85 = arith.select %gt3A_78, %select_n3A_76, %select_n3A_84 : vector<1024x128xi1>, vector<1024x128xi32>
    %select_n3A_86 = arith.select %gt3A_78, %slice3A_77, %select_n3A_73 : vector<1024x128xi1>, vector<1024x128xf32>
    %jit3A_87 = arith.constant 4 : i32
    %broadcast_in_dim3A_88 = vector.broadcast %jit3A_87 : i32 to vector<1024x128xi32>
    %select_n3A_89 = arith.select %gt3A_78, %broadcast_in_dim3A_88, %select_n3A_76 : vector<1024x128xi1>, vector<1024x128xi32>
    %slice3A_90 = vector.extract_strided_slice %dot_general3A_27 {offsets = [0, 640], sizes = [1024, 128], strides = [1, 1]} : vector<1024x1152xf32> to vector<1024x128xf32>
    %gt3A_91 = arith.cmpf ogt, %slice3A_90, %select_n3A_86 : vector<1024x128xf32>
    %gt3A_92 = arith.cmpf ogt, %slice3A_90, %select_n3A_81 : vector<1024x128xf32>
    %select_n3A_93 = arith.select %gt3A_92, %slice3A_90, %select_n3A_81 : vector<1024x128xi1>, vector<1024x128xf32>
    %select_n3A_94 = arith.select %gt3A_91, %select_n3A_86, %select_n3A_93 : vector<1024x128xi1>, vector<1024x128xf32>
    %jit3A_95 = arith.constant 5 : i32
    %broadcast_in_dim3A_96 = vector.broadcast %jit3A_95 : i32 to vector<1024x128xi32>
    %select_n3A_97 = arith.select %gt3A_92, %broadcast_in_dim3A_96, %select_n3A_85 : vector<1024x128xi1>, vector<1024x128xi32>
    %select_n3A_98 = arith.select %gt3A_91, %select_n3A_89, %select_n3A_97 : vector<1024x128xi1>, vector<1024x128xi32>
    %select_n3A_99 = arith.select %gt3A_91, %slice3A_90, %select_n3A_86 : vector<1024x128xi1>, vector<1024x128xf32>
    %jit3A_100 = arith.constant 5 : i32
    %broadcast_in_dim3A_101 = vector.broadcast %jit3A_100 : i32 to vector<1024x128xi32>
    %select_n3A_102 = arith.select %gt3A_91, %broadcast_in_dim3A_101, %select_n3A_89 : vector<1024x128xi1>, vector<1024x128xi32>
    %slice3A_103 = vector.extract_strided_slice %dot_general3A_27 {offsets = [0, 768], sizes = [1024, 128], strides = [1, 1]} : vector<1024x1152xf32> to vector<1024x128xf32>
    %gt3A_104 = arith.cmpf ogt, %slice3A_103, %select_n3A_99 : vector<1024x128xf32>
    %gt3A_105 = arith.cmpf ogt, %slice3A_103, %select_n3A_94 : vector<1024x128xf32>
    %select_n3A_106 = arith.select %gt3A_105, %slice3A_103, %select_n3A_94 : vector<1024x128xi1>, vector<1024x128xf32>
    %select_n3A_107 = arith.select %gt3A_104, %select_n3A_99, %select_n3A_106 : vector<1024x128xi1>, vector<1024x128xf32>
    %jit3A_108 = arith.constant 6 : i32
    %broadcast_in_dim3A_109 = vector.broadcast %jit3A_108 : i32 to vector<1024x128xi32>
    %select_n3A_110 = arith.select %gt3A_105, %broadcast_in_dim3A_109, %select_n3A_98 : vector<1024x128xi1>, vector<1024x128xi32>
    %select_n3A_111 = arith.select %gt3A_104, %select_n3A_102, %select_n3A_110 : vector<1024x128xi1>, vector<1024x128xi32>
    %select_n3A_112 = arith.select %gt3A_104, %slice3A_103, %select_n3A_99 : vector<1024x128xi1>, vector<1024x128xf32>
    %jit3A_113 = arith.constant 6 : i32
    %broadcast_in_dim3A_114 = vector.broadcast %jit3A_113 : i32 to vector<1024x128xi32>
    %select_n3A_115 = arith.select %gt3A_104, %broadcast_in_dim3A_114, %select_n3A_102 : vector<1024x128xi1>, vector<1024x128xi32>
    %slice3A_116 = vector.extract_strided_slice %dot_general3A_27 {offsets = [0, 896], sizes = [1024, 128], strides = [1, 1]} : vector<1024x1152xf32> to vector<1024x128xf32>
    %gt3A_117 = arith.cmpf ogt, %slice3A_116, %select_n3A_112 : vector<1024x128xf32>
    %gt3A_118 = arith.cmpf ogt, %slice3A_116, %select_n3A_107 : vector<1024x128xf32>
    %select_n3A_119 = arith.select %gt3A_118, %slice3A_116, %select_n3A_107 : vector<1024x128xi1>, vector<1024x128xf32>
    %select_n3A_120 = arith.select %gt3A_117, %select_n3A_112, %select_n3A_119 : vector<1024x128xi1>, vector<1024x128xf32>
    %jit3A_121 = arith.constant 7 : i32
    %broadcast_in_dim3A_122 = vector.broadcast %jit3A_121 : i32 to vector<1024x128xi32>
    %select_n3A_123 = arith.select %gt3A_118, %broadcast_in_dim3A_122, %select_n3A_111 : vector<1024x128xi1>, vector<1024x128xi32>
    %select_n3A_124 = arith.select %gt3A_117, %select_n3A_115, %select_n3A_123 : vector<1024x128xi1>, vector<1024x128xi32>
    %select_n3A_125 = arith.select %gt3A_117, %slice3A_116, %select_n3A_112 : vector<1024x128xi1>, vector<1024x128xf32>
    %jit3A_126 = arith.constant 7 : i32
    %broadcast_in_dim3A_127 = vector.broadcast %jit3A_126 : i32 to vector<1024x128xi32>
    %select_n3A_128 = arith.select %gt3A_117, %broadcast_in_dim3A_127, %select_n3A_115 : vector<1024x128xi1>, vector<1024x128xi32>
    %slice3A_129 = vector.extract_strided_slice %dot_general3A_27 {offsets = [0, 1024], sizes = [1024, 128], strides = [1, 1]} : vector<1024x1152xf32> to vector<1024x128xf32>
    %gt3A_130 = arith.cmpf ogt, %slice3A_129, %select_n3A_125 : vector<1024x128xf32>
    %gt3A_131 = arith.cmpf ogt, %slice3A_129, %select_n3A_120 : vector<1024x128xf32>
    %select_n3A_132 = arith.select %gt3A_131, %slice3A_129, %select_n3A_120 : vector<1024x128xi1>, vector<1024x128xf32>
    %select_n3A_133 = arith.select %gt3A_130, %select_n3A_125, %select_n3A_132 : vector<1024x128xi1>, vector<1024x128xf32>
    %jit3A_134 = arith.constant 8 : i32
    %broadcast_in_dim3A_135 = vector.broadcast %jit3A_134 : i32 to vector<1024x128xi32>
    %select_n3A_136 = arith.select %gt3A_131, %broadcast_in_dim3A_135, %select_n3A_124 : vector<1024x128xi1>, vector<1024x128xi32>
    %select_n3A_137 = arith.select %gt3A_130, %select_n3A_128, %select_n3A_136 : vector<1024x128xi1>, vector<1024x128xi32>
    %select_n3A_138 = arith.select %gt3A_130, %slice3A_129, %select_n3A_125 : vector<1024x128xi1>, vector<1024x128xf32>
    %jit3A_139 = arith.constant 8 : i32
    %broadcast_in_dim3A_140 = vector.broadcast %jit3A_139 : i32 to vector<1024x128xi32>
    %select_n3A_141 = arith.select %gt3A_130, %broadcast_in_dim3A_140, %select_n3A_128 : vector<1024x128xi1>, vector<1024x128xi32>
    %slice3A_142 = vector.extract_strided_slice %concatenate3A_17 {offsets = [0, 1152], sizes = [4, 1152], strides = [1, 1]} : vector<4x6912xf32> to vector<4x1152xf32>
    %dot_general3A_143 = arith.constant dense<0.000000e+00> : vector<1024x1152xf32>
    %dot_general3A_144 = tpu.matmul %concatenate3A, %slice3A_142, %dot_general3A_143 {dimension_numbers = #tpu.dot_dimension_numbers<[1], [0], [0], [1], [0, 0, 1, 1], [], []>, precision = #tpu.contract_precision<fp32>, transpose_lhs_hint = false} : vector<1024x4xf32>, vector<4x1152xf32>, vector<1024x1152xf32> -> vector<1024x1152xf32>
    %slice3A_145 = vector.extract_strided_slice %dot_general3A_144 {offsets = [0, 0], sizes = [1024, 128], strides = [1, 1]} : vector<1024x1152xf32> to vector<1024x128xf32>
    %gt3A_146 = arith.cmpf ogt, %slice3A_145, %select_n3A_138 : vector<1024x128xf32>
    %gt3A_147 = arith.cmpf ogt, %slice3A_145, %select_n3A_133 : vector<1024x128xf32>
    %select_n3A_148 = arith.select %gt3A_147, %slice3A_145, %select_n3A_133 : vector<1024x128xi1>, vector<1024x128xf32>
    %select_n3A_149 = arith.select %gt3A_146, %select_n3A_138, %select_n3A_148 : vector<1024x128xi1>, vector<1024x128xf32>
    %jit3A_150 = arith.constant 9 : i32
    %broadcast_in_dim3A_151 = vector.broadcast %jit3A_150 : i32 to vector<1024x128xi32>
    %select_n3A_152 = arith.select %gt3A_147, %broadcast_in_dim3A_151, %select_n3A_137 : vector<1024x128xi1>, vector<1024x128xi32>
    %select_n3A_153 = arith.select %gt3A_146, %select_n3A_141, %select_n3A_152 : vector<1024x128xi1>, vector<1024x128xi32>
    %select_n3A_154 = arith.select %gt3A_146, %slice3A_145, %select_n3A_138 : vector<1024x128xi1>, vector<1024x128xf32>
    %jit3A_155 = arith.constant 9 : i32
    %broadcast_in_dim3A_156 = vector.broadcast %jit3A_155 : i32 to vector<1024x128xi32>
    %select_n3A_157 = arith.select %gt3A_146, %broadcast_in_dim3A_156, %select_n3A_141 : vector<1024x128xi1>, vector<1024x128xi32>
    %slice3A_158 = vector.extract_strided_slice %dot_general3A_144 {offsets = [0, 128], sizes = [1024, 128], strides = [1, 1]} : vector<1024x1152xf32> to vector<1024x128xf32>
    %gt3A_159 = arith.cmpf ogt, %slice3A_158, %select_n3A_154 : vector<1024x128xf32>
    %gt3A_160 = arith.cmpf ogt, %slice3A_158, %select_n3A_149 : vector<1024x128xf32>
    %select_n3A_161 = arith.select %gt3A_160, %slice3A_158, %select_n3A_149 : vector<1024x128xi1>, vector<1024x128xf32>
    %select_n3A_162 = arith.select %gt3A_159, %select_n3A_154, %select_n3A_161 : vector<1024x128xi1>, vector<1024x128xf32>
    %jit3A_163 = arith.constant 10 : i32
    %broadcast_in_dim3A_164 = vector.broadcast %jit3A_163 : i32 to vector<1024x128xi32>
    %select_n3A_165 = arith.select %gt3A_160, %broadcast_in_dim3A_164, %select_n3A_153 : vector<1024x128xi1>, vector<1024x128xi32>
    %select_n3A_166 = arith.select %gt3A_159, %select_n3A_157, %select_n3A_165 : vector<1024x128xi1>, vector<1024x128xi32>
    %select_n3A_167 = arith.select %gt3A_159, %slice3A_158, %select_n3A_154 : vector<1024x128xi1>, vector<1024x128xf32>
    %jit3A_168 = arith.constant 10 : i32
    %broadcast_in_dim3A_169 = vector.broadcast %jit3A_168 : i32 to vector<1024x128xi32>
    %select_n3A_170 = arith.select %gt3A_159, %broadcast_in_dim3A_169, %select_n3A_157 : vector<1024x128xi1>, vector<1024x128xi32>
    %slice3A_171 = vector.extract_strided_slice %dot_general3A_144 {offsets = [0, 256], sizes = [1024, 128], strides = [1, 1]} : vector<1024x1152xf32> to vector<1024x128xf32>
    %gt3A_172 = arith.cmpf ogt, %slice3A_171, %select_n3A_167 : vector<1024x128xf32>
    %gt3A_173 = arith.cmpf ogt, %slice3A_171, %select_n3A_162 : vector<1024x128xf32>
    %select_n3A_174 = arith.select %gt3A_173, %slice3A_171, %select_n3A_162 : vector<1024x128xi1>, vector<1024x128xf32>
    %select_n3A_175 = arith.select %gt3A_172, %select_n3A_167, %select_n3A_174 : vector<1024x128xi1>, vector<1024x128xf32>
    %jit3A_176 = arith.constant 11 : i32
    %broadcast_in_dim3A_177 = vector.broadcast %jit3A_176 : i32 to vector<1024x128xi32>
    %select_n3A_178 = arith.select %gt3A_173, %broadcast_in_dim3A_177, %select_n3A_166 : vector<1024x128xi1>, vector<1024x128xi32>
    %select_n3A_179 = arith.select %gt3A_172, %select_n3A_170, %select_n3A_178 : vector<1024x128xi1>, vector<1024x128xi32>
    %select_n3A_180 = arith.select %gt3A_172, %slice3A_171, %select_n3A_167 : vector<1024x128xi1>, vector<1024x128xf32>
    %jit3A_181 = arith.constant 11 : i32
    %broadcast_in_dim3A_182 = vector.broadcast %jit3A_181 : i32 to vector<1024x128xi32>
    %select_n3A_183 = arith.select %gt3A_172, %broadcast_in_dim3A_182, %select_n3A_170 : vector<1024x128xi1>, vector<1024x128xi32>
    %slice3A_184 = vector.extract_strided_slice %dot_general3A_144 {offsets = [0, 384], sizes = [1024, 128], strides = [1, 1]} : vector<1024x1152xf32> to vector<1024x128xf32>
    %gt3A_185 = arith.cmpf ogt, %slice3A_184, %select_n3A_180 : vector<1024x128xf32>
    %gt3A_186 = arith.cmpf ogt, %slice3A_184, %select_n3A_175 : vector<1024x128xf32>
    %select_n3A_187 = arith.select %gt3A_186, %slice3A_184, %select_n3A_175 : vector<1024x128xi1>, vector<1024x128xf32>
    %select_n3A_188 = arith.select %gt3A_185, %select_n3A_180, %select_n3A_187 : vector<1024x128xi1>, vector<1024x128xf32>
    %jit3A_189 = arith.constant 12 : i32
    %broadcast_in_dim3A_190 = vector.broadcast %jit3A_189 : i32 to vector<1024x128xi32>
    %select_n3A_191 = arith.select %gt3A_186, %broadcast_in_dim3A_190, %select_n3A_179 : vector<1024x128xi1>, vector<1024x128xi32>
    %select_n3A_192 = arith.select %gt3A_185, %select_n3A_183, %select_n3A_191 : vector<1024x128xi1>, vector<1024x128xi32>
    %select_n3A_193 = arith.select %gt3A_185, %slice3A_184, %select_n3A_180 : vector<1024x128xi1>, vector<1024x128xf32>
    %jit3A_194 = arith.constant 12 : i32
    %broadcast_in_dim3A_195 = vector.broadcast %jit3A_194 : i32 to vector<1024x128xi32>
    %select_n3A_196 = arith.select %gt3A_185, %broadcast_in_dim3A_195, %select_n3A_183 : vector<1024x128xi1>, vector<1024x128xi32>
    %slice3A_197 = vector.extract_strided_slice %dot_general3A_144 {offsets = [0, 512], sizes = [1024, 128], strides = [1, 1]} : vector<1024x1152xf32> to vector<1024x128xf32>
    %gt3A_198 = arith.cmpf ogt, %slice3A_197, %select_n3A_193 : vector<1024x128xf32>
    %gt3A_199 = arith.cmpf ogt, %slice3A_197, %select_n3A_188 : vector<1024x128xf32>
    %select_n3A_200 = arith.select %gt3A_199, %slice3A_197, %select_n3A_188 : vector<1024x128xi1>, vector<1024x128xf32>
    %select_n3A_201 = arith.select %gt3A_198, %select_n3A_193, %select_n3A_200 : vector<1024x128xi1>, vector<1024x128xf32>
    %jit3A_202 = arith.constant 13 : i32
    %broadcast_in_dim3A_203 = vector.broadcast %jit3A_202 : i32 to vector<1024x128xi32>
    %select_n3A_204 = arith.select %gt3A_199, %broadcast_in_dim3A_203, %select_n3A_192 : vector<1024x128xi1>, vector<1024x128xi32>
    %select_n3A_205 = arith.select %gt3A_198, %select_n3A_196, %select_n3A_204 : vector<1024x128xi1>, vector<1024x128xi32>
    %select_n3A_206 = arith.select %gt3A_198, %slice3A_197, %select_n3A_193 : vector<1024x128xi1>, vector<1024x128xf32>
    %jit3A_207 = arith.constant 13 : i32
    %broadcast_in_dim3A_208 = vector.broadcast %jit3A_207 : i32 to vector<1024x128xi32>
    %select_n3A_209 = arith.select %gt3A_198, %broadcast_in_dim3A_208, %select_n3A_196 : vector<1024x128xi1>, vector<1024x128xi32>
    %slice3A_210 = vector.extract_strided_slice %dot_general3A_144 {offsets = [0, 640], sizes = [1024, 128], strides = [1, 1]} : vector<1024x1152xf32> to vector<1024x128xf32>
    %gt3A_211 = arith.cmpf ogt, %slice3A_210, %select_n3A_206 : vector<1024x128xf32>
    %gt3A_212 = arith.cmpf ogt, %slice3A_210, %select_n3A_201 : vector<1024x128xf32>
    %select_n3A_213 = arith.select %gt3A_212, %slice3A_210, %select_n3A_201 : vector<1024x128xi1>, vector<1024x128xf32>
    %select_n3A_214 = arith.select %gt3A_211, %select_n3A_206, %select_n3A_213 : vector<1024x128xi1>, vector<1024x128xf32>
    %jit3A_215 = arith.constant 14 : i32
    %broadcast_in_dim3A_216 = vector.broadcast %jit3A_215 : i32 to vector<1024x128xi32>
    %select_n3A_217 = arith.select %gt3A_212, %broadcast_in_dim3A_216, %select_n3A_205 : vector<1024x128xi1>, vector<1024x128xi32>
    %select_n3A_218 = arith.select %gt3A_211, %select_n3A_209, %select_n3A_217 : vector<1024x128xi1>, vector<1024x128xi32>
    %select_n3A_219 = arith.select %gt3A_211, %slice3A_210, %select_n3A_206 : vector<1024x128xi1>, vector<1024x128xf32>
    %jit3A_220 = arith.constant 14 : i32
    %broadcast_in_dim3A_221 = vector.broadcast %jit3A_220 : i32 to vector<1024x128xi32>
    %select_n3A_222 = arith.select %gt3A_211, %broadcast_in_dim3A_221, %select_n3A_209 : vector<1024x128xi1>, vector<1024x128xi32>
    %slice3A_223 = vector.extract_strided_slice %dot_general3A_144 {offsets = [0, 768], sizes = [1024, 128], strides = [1, 1]} : vector<1024x1152xf32> to vector<1024x128xf32>
    %gt3A_224 = arith.cmpf ogt, %slice3A_223, %select_n3A_219 : vector<1024x128xf32>
    %gt3A_225 = arith.cmpf ogt, %slice3A_223, %select_n3A_214 : vector<1024x128xf32>
    %select_n3A_226 = arith.select %gt3A_225, %slice3A_223, %select_n3A_214 : vector<1024x128xi1>, vector<1024x128xf32>
    %select_n3A_227 = arith.select %gt3A_224, %select_n3A_219, %select_n3A_226 : vector<1024x128xi1>, vector<1024x128xf32>
    %jit3A_228 = arith.constant 15 : i32
    %broadcast_in_dim3A_229 = vector.broadcast %jit3A_228 : i32 to vector<1024x128xi32>
    %select_n3A_230 = arith.select %gt3A_225, %broadcast_in_dim3A_229, %select_n3A_218 : vector<1024x128xi1>, vector<1024x128xi32>
    %select_n3A_231 = arith.select %gt3A_224, %select_n3A_222, %select_n3A_230 : vector<1024x128xi1>, vector<1024x128xi32>
    %select_n3A_232 = arith.select %gt3A_224, %slice3A_223, %select_n3A_219 : vector<1024x128xi1>, vector<1024x128xf32>
    %jit3A_233 = arith.constant 15 : i32
    %broadcast_in_dim3A_234 = vector.broadcast %jit3A_233 : i32 to vector<1024x128xi32>
    %select_n3A_235 = arith.select %gt3A_224, %broadcast_in_dim3A_234, %select_n3A_222 : vector<1024x128xi1>, vector<1024x128xi32>
    %slice3A_236 = vector.extract_strided_slice %dot_general3A_144 {offsets = [0, 896], sizes = [1024, 128], strides = [1, 1]} : vector<1024x1152xf32> to vector<1024x128xf32>
    %gt3A_237 = arith.cmpf ogt, %slice3A_236, %select_n3A_232 : vector<1024x128xf32>
    %gt3A_238 = arith.cmpf ogt, %slice3A_236, %select_n3A_227 : vector<1024x128xf32>
    %select_n3A_239 = arith.select %gt3A_238, %slice3A_236, %select_n3A_227 : vector<1024x128xi1>, vector<1024x128xf32>
    %select_n3A_240 = arith.select %gt3A_237, %select_n3A_232, %select_n3A_239 : vector<1024x128xi1>, vector<1024x128xf32>
    %jit3A_241 = arith.constant 16 : i32
    %broadcast_in_dim3A_242 = vector.broadcast %jit3A_241 : i32 to vector<1024x128xi32>
    %select_n3A_243 = arith.select %gt3A_238, %broadcast_in_dim3A_242, %select_n3A_231 : vector<1024x128xi1>, vector<1024x128xi32>
    %select_n3A_244 = arith.select %gt3A_237, %select_n3A_235, %select_n3A_243 : vector<1024x128xi1>, vector<1024x128xi32>
    %select_n3A_245 = arith.select %gt3A_237, %slice3A_236, %select_n3A_232 : vector<1024x128xi1>, vector<1024x128xf32>
    %jit3A_246 = arith.constant 16 : i32
    %broadcast_in_dim3A_247 = vector.broadcast %jit3A_246 : i32 to vector<1024x128xi32>
    %select_n3A_248 = arith.select %gt3A_237, %broadcast_in_dim3A_247, %select_n3A_235 : vector<1024x128xi1>, vector<1024x128xi32>
    %slice3A_249 = vector.extract_strided_slice %dot_general3A_144 {offsets = [0, 1024], sizes = [1024, 128], strides = [1, 1]} : vector<1024x1152xf32> to vector<1024x128xf32>
    %gt3A_250 = arith.cmpf ogt, %slice3A_249, %select_n3A_245 : vector<1024x128xf32>
    %gt3A_251 = arith.cmpf ogt, %slice3A_249, %select_n3A_240 : vector<1024x128xf32>
    %select_n3A_252 = arith.select %gt3A_251, %slice3A_249, %select_n3A_240 : vector<1024x128xi1>, vector<1024x128xf32>
    %select_n3A_253 = arith.select %gt3A_250, %select_n3A_245, %select_n3A_252 : vector<1024x128xi1>, vector<1024x128xf32>
    %jit3A_254 = arith.constant 17 : i32
    %broadcast_in_dim3A_255 = vector.broadcast %jit3A_254 : i32 to vector<1024x128xi32>
    %select_n3A_256 = arith.select %gt3A_251, %broadcast_in_dim3A_255, %select_n3A_244 : vector<1024x128xi1>, vector<1024x128xi32>
    %select_n3A_257 = arith.select %gt3A_250, %select_n3A_248, %select_n3A_256 : vector<1024x128xi1>, vector<1024x128xi32>
    %select_n3A_258 = arith.select %gt3A_250, %slice3A_249, %select_n3A_245 : vector<1024x128xi1>, vector<1024x128xf32>
    %jit3A_259 = arith.constant 17 : i32
    %broadcast_in_dim3A_260 = vector.broadcast %jit3A_259 : i32 to vector<1024x128xi32>
    %select_n3A_261 = arith.select %gt3A_250, %broadcast_in_dim3A_260, %select_n3A_248 : vector<1024x128xi1>, vector<1024x128xi32>
    %slice3A_262 = vector.extract_strided_slice %concatenate3A_17 {offsets = [0, 2304], sizes = [4, 1152], strides = [1, 1]} : vector<4x6912xf32> to vector<4x1152xf32>
    %dot_general3A_263 = arith.constant dense<0.000000e+00> : vector<1024x1152xf32>
    %dot_general3A_264 = tpu.matmul %concatenate3A, %slice3A_262, %dot_general3A_263 {dimension_numbers = #tpu.dot_dimension_numbers<[1], [0], [0], [1], [0, 0, 1, 1], [], []>, precision = #tpu.contract_precision<fp32>, transpose_lhs_hint = false} : vector<1024x4xf32>, vector<4x1152xf32>, vector<1024x1152xf32> -> vector<1024x1152xf32>
    %slice3A_265 = vector.extract_strided_slice %dot_general3A_264 {offsets = [0, 0], sizes = [1024, 128], strides = [1, 1]} : vector<1024x1152xf32> to vector<1024x128xf32>
    %gt3A_266 = arith.cmpf ogt, %slice3A_265, %select_n3A_258 : vector<1024x128xf32>
    %gt3A_267 = arith.cmpf ogt, %slice3A_265, %select_n3A_253 : vector<1024x128xf32>
    %select_n3A_268 = arith.select %gt3A_267, %slice3A_265, %select_n3A_253 : vector<1024x128xi1>, vector<1024x128xf32>
    %select_n3A_269 = arith.select %gt3A_266, %select_n3A_258, %select_n3A_268 : vector<1024x128xi1>, vector<1024x128xf32>
    %jit3A_270 = arith.constant 18 : i32
    %broadcast_in_dim3A_271 = vector.broadcast %jit3A_270 : i32 to vector<1024x128xi32>
    %select_n3A_272 = arith.select %gt3A_267, %broadcast_in_dim3A_271, %select_n3A_257 : vector<1024x128xi1>, vector<1024x128xi32>
    %select_n3A_273 = arith.select %gt3A_266, %select_n3A_261, %select_n3A_272 : vector<1024x128xi1>, vector<1024x128xi32>
    %select_n3A_274 = arith.select %gt3A_266, %slice3A_265, %select_n3A_258 : vector<1024x128xi1>, vector<1024x128xf32>
    %jit3A_275 = arith.constant 18 : i32
    %broadcast_in_dim3A_276 = vector.broadcast %jit3A_275 : i32 to vector<1024x128xi32>
    %select_n3A_277 = arith.select %gt3A_266, %broadcast_in_dim3A_276, %select_n3A_261 : vector<1024x128xi1>, vector<1024x128xi32>
    %slice3A_278 = vector.extract_strided_slice %dot_general3A_264 {offsets = [0, 128], sizes = [1024, 128], strides = [1, 1]} : vector<1024x1152xf32> to vector<1024x128xf32>
    %gt3A_279 = arith.cmpf ogt, %slice3A_278, %select_n3A_274 : vector<1024x128xf32>
    %gt3A_280 = arith.cmpf ogt, %slice3A_278, %select_n3A_269 : vector<1024x128xf32>
    %select_n3A_281 = arith.select %gt3A_280, %slice3A_278, %select_n3A_269 : vector<1024x128xi1>, vector<1024x128xf32>
    %select_n3A_282 = arith.select %gt3A_279, %select_n3A_274, %select_n3A_281 : vector<1024x128xi1>, vector<1024x128xf32>
    %jit3A_283 = arith.constant 19 : i32
    %broadcast_in_dim3A_284 = vector.broadcast %jit3A_283 : i32 to vector<1024x128xi32>
    %select_n3A_285 = arith.select %gt3A_280, %broadcast_in_dim3A_284, %select_n3A_273 : vector<1024x128xi1>, vector<1024x128xi32>
    %select_n3A_286 = arith.select %gt3A_279, %select_n3A_277, %select_n3A_285 : vector<1024x128xi1>, vector<1024x128xi32>
    %select_n3A_287 = arith.select %gt3A_279, %slice3A_278, %select_n3A_274 : vector<1024x128xi1>, vector<1024x128xf32>
    %jit3A_288 = arith.constant 19 : i32
    %broadcast_in_dim3A_289 = vector.broadcast %jit3A_288 : i32 to vector<1024x128xi32>
    %select_n3A_290 = arith.select %gt3A_279, %broadcast_in_dim3A_289, %select_n3A_277 : vector<1024x128xi1>, vector<1024x128xi32>
    %slice3A_291 = vector.extract_strided_slice %dot_general3A_264 {offsets = [0, 256], sizes = [1024, 128], strides = [1, 1]} : vector<1024x1152xf32> to vector<1024x128xf32>
    %gt3A_292 = arith.cmpf ogt, %slice3A_291, %select_n3A_287 : vector<1024x128xf32>
    %gt3A_293 = arith.cmpf ogt, %slice3A_291, %select_n3A_282 : vector<1024x128xf32>
    %select_n3A_294 = arith.select %gt3A_293, %slice3A_291, %select_n3A_282 : vector<1024x128xi1>, vector<1024x128xf32>
    %select_n3A_295 = arith.select %gt3A_292, %select_n3A_287, %select_n3A_294 : vector<1024x128xi1>, vector<1024x128xf32>
    %jit3A_296 = arith.constant 20 : i32
    %broadcast_in_dim3A_297 = vector.broadcast %jit3A_296 : i32 to vector<1024x128xi32>
    %select_n3A_298 = arith.select %gt3A_293, %broadcast_in_dim3A_297, %select_n3A_286 : vector<1024x128xi1>, vector<1024x128xi32>
    %select_n3A_299 = arith.select %gt3A_292, %select_n3A_290, %select_n3A_298 : vector<1024x128xi1>, vector<1024x128xi32>
    %select_n3A_300 = arith.select %gt3A_292, %slice3A_291, %select_n3A_287 : vector<1024x128xi1>, vector<1024x128xf32>
    %jit3A_301 = arith.constant 20 : i32
    %broadcast_in_dim3A_302 = vector.broadcast %jit3A_301 : i32 to vector<1024x128xi32>
    %select_n3A_303 = arith.select %gt3A_292, %broadcast_in_dim3A_302, %select_n3A_290 : vector<1024x128xi1>, vector<1024x128xi32>
    %slice3A_304 = vector.extract_strided_slice %dot_general3A_264 {offsets = [0, 384], sizes = [1024, 128], strides = [1, 1]} : vector<1024x1152xf32> to vector<1024x128xf32>
    %gt3A_305 = arith.cmpf ogt, %slice3A_304, %select_n3A_300 : vector<1024x128xf32>
    %gt3A_306 = arith.cmpf ogt, %slice3A_304, %select_n3A_295 : vector<1024x128xf32>
    %select_n3A_307 = arith.select %gt3A_306, %slice3A_304, %select_n3A_295 : vector<1024x128xi1>, vector<1024x128xf32>
    %select_n3A_308 = arith.select %gt3A_305, %select_n3A_300, %select_n3A_307 : vector<1024x128xi1>, vector<1024x128xf32>
    %jit3A_309 = arith.constant 21 : i32
    %broadcast_in_dim3A_310 = vector.broadcast %jit3A_309 : i32 to vector<1024x128xi32>
    %select_n3A_311 = arith.select %gt3A_306, %broadcast_in_dim3A_310, %select_n3A_299 : vector<1024x128xi1>, vector<1024x128xi32>
    %select_n3A_312 = arith.select %gt3A_305, %select_n3A_303, %select_n3A_311 : vector<1024x128xi1>, vector<1024x128xi32>
    %select_n3A_313 = arith.select %gt3A_305, %slice3A_304, %select_n3A_300 : vector<1024x128xi1>, vector<1024x128xf32>
    %jit3A_314 = arith.constant 21 : i32
    %broadcast_in_dim3A_315 = vector.broadcast %jit3A_314 : i32 to vector<1024x128xi32>
    %select_n3A_316 = arith.select %gt3A_305, %broadcast_in_dim3A_315, %select_n3A_303 : vector<1024x128xi1>, vector<1024x128xi32>
    %slice3A_317 = vector.extract_strided_slice %dot_general3A_264 {offsets = [0, 512], sizes = [1024, 128], strides = [1, 1]} : vector<1024x1152xf32> to vector<1024x128xf32>
    %gt3A_318 = arith.cmpf ogt, %slice3A_317, %select_n3A_313 : vector<1024x128xf32>
    %gt3A_319 = arith.cmpf ogt, %slice3A_317, %select_n3A_308 : vector<1024x128xf32>
    %select_n3A_320 = arith.select %gt3A_319, %slice3A_317, %select_n3A_308 : vector<1024x128xi1>, vector<1024x128xf32>
    %select_n3A_321 = arith.select %gt3A_318, %select_n3A_313, %select_n3A_320 : vector<1024x128xi1>, vector<1024x128xf32>
    %jit3A_322 = arith.constant 22 : i32
    %broadcast_in_dim3A_323 = vector.broadcast %jit3A_322 : i32 to vector<1024x128xi32>
    %select_n3A_324 = arith.select %gt3A_319, %broadcast_in_dim3A_323, %select_n3A_312 : vector<1024x128xi1>, vector<1024x128xi32>
    %select_n3A_325 = arith.select %gt3A_318, %select_n3A_316, %select_n3A_324 : vector<1024x128xi1>, vector<1024x128xi32>
    %select_n3A_326 = arith.select %gt3A_318, %slice3A_317, %select_n3A_313 : vector<1024x128xi1>, vector<1024x128xf32>
    %jit3A_327 = arith.constant 22 : i32
    %broadcast_in_dim3A_328 = vector.broadcast %jit3A_327 : i32 to vector<1024x128xi32>
    %select_n3A_329 = arith.select %gt3A_318, %broadcast_in_dim3A_328, %select_n3A_316 : vector<1024x128xi1>, vector<1024x128xi32>
    %slice3A_330 = vector.extract_strided_slice %dot_general3A_264 {offsets = [0, 640], sizes = [1024, 128], strides = [1, 1]} : vector<1024x1152xf32> to vector<1024x128xf32>
    %gt3A_331 = arith.cmpf ogt, %slice3A_330, %select_n3A_326 : vector<1024x128xf32>
    %gt3A_332 = arith.cmpf ogt, %slice3A_330, %select_n3A_321 : vector<1024x128xf32>
    %select_n3A_333 = arith.select %gt3A_332, %slice3A_330, %select_n3A_321 : vector<1024x128xi1>, vector<1024x128xf32>
    %select_n3A_334 = arith.select %gt3A_331, %select_n3A_326, %select_n3A_333 : vector<1024x128xi1>, vector<1024x128xf32>
    %jit3A_335 = arith.constant 23 : i32
    %broadcast_in_dim3A_336 = vector.broadcast %jit3A_335 : i32 to vector<1024x128xi32>
    %select_n3A_337 = arith.select %gt3A_332, %broadcast_in_dim3A_336, %select_n3A_325 : vector<1024x128xi1>, vector<1024x128xi32>
    %select_n3A_338 = arith.select %gt3A_331, %select_n3A_329, %select_n3A_337 : vector<1024x128xi1>, vector<1024x128xi32>
    %select_n3A_339 = arith.select %gt3A_331, %slice3A_330, %select_n3A_326 : vector<1024x128xi1>, vector<1024x128xf32>
    %jit3A_340 = arith.constant 23 : i32
    %broadcast_in_dim3A_341 = vector.broadcast %jit3A_340 : i32 to vector<1024x128xi32>
    %select_n3A_342 = arith.select %gt3A_331, %broadcast_in_dim3A_341, %select_n3A_329 : vector<1024x128xi1>, vector<1024x128xi32>
    %slice3A_343 = vector.extract_strided_slice %dot_general3A_264 {offsets = [0, 768], sizes = [1024, 128], strides = [1, 1]} : vector<1024x1152xf32> to vector<1024x128xf32>
    %gt3A_344 = arith.cmpf ogt, %slice3A_343, %select_n3A_339 : vector<1024x128xf32>
    %gt3A_345 = arith.cmpf ogt, %slice3A_343, %select_n3A_334 : vector<1024x128xf32>
    %select_n3A_346 = arith.select %gt3A_345, %slice3A_343, %select_n3A_334 : vector<1024x128xi1>, vector<1024x128xf32>
    %select_n3A_347 = arith.select %gt3A_344, %select_n3A_339, %select_n3A_346 : vector<1024x128xi1>, vector<1024x128xf32>
    %jit3A_348 = arith.constant 24 : i32
    %broadcast_in_dim3A_349 = vector.broadcast %jit3A_348 : i32 to vector<1024x128xi32>
    %select_n3A_350 = arith.select %gt3A_345, %broadcast_in_dim3A_349, %select_n3A_338 : vector<1024x128xi1>, vector<1024x128xi32>
    %select_n3A_351 = arith.select %gt3A_344, %select_n3A_342, %select_n3A_350 : vector<1024x128xi1>, vector<1024x128xi32>
    %select_n3A_352 = arith.select %gt3A_344, %slice3A_343, %select_n3A_339 : vector<1024x128xi1>, vector<1024x128xf32>
    %jit3A_353 = arith.constant 24 : i32
    %broadcast_in_dim3A_354 = vector.broadcast %jit3A_353 : i32 to vector<1024x128xi32>
    %select_n3A_355 = arith.select %gt3A_344, %broadcast_in_dim3A_354, %select_n3A_342 : vector<1024x128xi1>, vector<1024x128xi32>
    %slice3A_356 = vector.extract_strided_slice %dot_general3A_264 {offsets = [0, 896], sizes = [1024, 128], strides = [1, 1]} : vector<1024x1152xf32> to vector<1024x128xf32>
    %gt3A_357 = arith.cmpf ogt, %slice3A_356, %select_n3A_352 : vector<1024x128xf32>
    %gt3A_358 = arith.cmpf ogt, %slice3A_356, %select_n3A_347 : vector<1024x128xf32>
    %select_n3A_359 = arith.select %gt3A_358, %slice3A_356, %select_n3A_347 : vector<1024x128xi1>, vector<1024x128xf32>
    %select_n3A_360 = arith.select %gt3A_357, %select_n3A_352, %select_n3A_359 : vector<1024x128xi1>, vector<1024x128xf32>
    %jit3A_361 = arith.constant 25 : i32
    %broadcast_in_dim3A_362 = vector.broadcast %jit3A_361 : i32 to vector<1024x128xi32>
    %select_n3A_363 = arith.select %gt3A_358, %broadcast_in_dim3A_362, %select_n3A_351 : vector<1024x128xi1>, vector<1024x128xi32>
    %select_n3A_364 = arith.select %gt3A_357, %select_n3A_355, %select_n3A_363 : vector<1024x128xi1>, vector<1024x128xi32>
    %select_n3A_365 = arith.select %gt3A_357, %slice3A_356, %select_n3A_352 : vector<1024x128xi1>, vector<1024x128xf32>
    %jit3A_366 = arith.constant 25 : i32
    %broadcast_in_dim3A_367 = vector.broadcast %jit3A_366 : i32 to vector<1024x128xi32>
    %select_n3A_368 = arith.select %gt3A_357, %broadcast_in_dim3A_367, %select_n3A_355 : vector<1024x128xi1>, vector<1024x128xi32>
    %slice3A_369 = vector.extract_strided_slice %dot_general3A_264 {offsets = [0, 1024], sizes = [1024, 128], strides = [1, 1]} : vector<1024x1152xf32> to vector<1024x128xf32>
    %gt3A_370 = arith.cmpf ogt, %slice3A_369, %select_n3A_365 : vector<1024x128xf32>
    %gt3A_371 = arith.cmpf ogt, %slice3A_369, %select_n3A_360 : vector<1024x128xf32>
    %select_n3A_372 = arith.select %gt3A_371, %slice3A_369, %select_n3A_360 : vector<1024x128xi1>, vector<1024x128xf32>
    %select_n3A_373 = arith.select %gt3A_370, %select_n3A_365, %select_n3A_372 : vector<1024x128xi1>, vector<1024x128xf32>
    %jit3A_374 = arith.constant 26 : i32
    %broadcast_in_dim3A_375 = vector.broadcast %jit3A_374 : i32 to vector<1024x128xi32>
    %select_n3A_376 = arith.select %gt3A_371, %broadcast_in_dim3A_375, %select_n3A_364 : vector<1024x128xi1>, vector<1024x128xi32>
    %select_n3A_377 = arith.select %gt3A_370, %select_n3A_368, %select_n3A_376 : vector<1024x128xi1>, vector<1024x128xi32>
    %select_n3A_378 = arith.select %gt3A_370, %slice3A_369, %select_n3A_365 : vector<1024x128xi1>, vector<1024x128xf32>
    %jit3A_379 = arith.constant 26 : i32
    %broadcast_in_dim3A_380 = vector.broadcast %jit3A_379 : i32 to vector<1024x128xi32>
    %select_n3A_381 = arith.select %gt3A_370, %broadcast_in_dim3A_380, %select_n3A_368 : vector<1024x128xi1>, vector<1024x128xi32>
    %slice3A_382 = vector.extract_strided_slice %concatenate3A_17 {offsets = [0, 3456], sizes = [4, 1152], strides = [1, 1]} : vector<4x6912xf32> to vector<4x1152xf32>
    %dot_general3A_383 = arith.constant dense<0.000000e+00> : vector<1024x1152xf32>
    %dot_general3A_384 = tpu.matmul %concatenate3A, %slice3A_382, %dot_general3A_383 {dimension_numbers = #tpu.dot_dimension_numbers<[1], [0], [0], [1], [0, 0, 1, 1], [], []>, precision = #tpu.contract_precision<fp32>, transpose_lhs_hint = false} : vector<1024x4xf32>, vector<4x1152xf32>, vector<1024x1152xf32> -> vector<1024x1152xf32>
    %slice3A_385 = vector.extract_strided_slice %dot_general3A_384 {offsets = [0, 0], sizes = [1024, 128], strides = [1, 1]} : vector<1024x1152xf32> to vector<1024x128xf32>
    %gt3A_386 = arith.cmpf ogt, %slice3A_385, %select_n3A_378 : vector<1024x128xf32>
    %gt3A_387 = arith.cmpf ogt, %slice3A_385, %select_n3A_373 : vector<1024x128xf32>
    %select_n3A_388 = arith.select %gt3A_387, %slice3A_385, %select_n3A_373 : vector<1024x128xi1>, vector<1024x128xf32>
    %select_n3A_389 = arith.select %gt3A_386, %select_n3A_378, %select_n3A_388 : vector<1024x128xi1>, vector<1024x128xf32>
    %jit3A_390 = arith.constant 27 : i32
    %broadcast_in_dim3A_391 = vector.broadcast %jit3A_390 : i32 to vector<1024x128xi32>
    %select_n3A_392 = arith.select %gt3A_387, %broadcast_in_dim3A_391, %select_n3A_377 : vector<1024x128xi1>, vector<1024x128xi32>
    %select_n3A_393 = arith.select %gt3A_386, %select_n3A_381, %select_n3A_392 : vector<1024x128xi1>, vector<1024x128xi32>
    %select_n3A_394 = arith.select %gt3A_386, %slice3A_385, %select_n3A_378 : vector<1024x128xi1>, vector<1024x128xf32>
    %jit3A_395 = arith.constant 27 : i32
    %broadcast_in_dim3A_396 = vector.broadcast %jit3A_395 : i32 to vector<1024x128xi32>
    %select_n3A_397 = arith.select %gt3A_386, %broadcast_in_dim3A_396, %select_n3A_381 : vector<1024x128xi1>, vector<1024x128xi32>
    %slice3A_398 = vector.extract_strided_slice %dot_general3A_384 {offsets = [0, 128], sizes = [1024, 128], strides = [1, 1]} : vector<1024x1152xf32> to vector<1024x128xf32>
    %gt3A_399 = arith.cmpf ogt, %slice3A_398, %select_n3A_394 : vector<1024x128xf32>
    %gt3A_400 = arith.cmpf ogt, %slice3A_398, %select_n3A_389 : vector<1024x128xf32>
    %select_n3A_401 = arith.select %gt3A_400, %slice3A_398, %select_n3A_389 : vector<1024x128xi1>, vector<1024x128xf32>
    %select_n3A_402 = arith.select %gt3A_399, %select_n3A_394, %select_n3A_401 : vector<1024x128xi1>, vector<1024x128xf32>
    %jit3A_403 = arith.constant 28 : i32
    %broadcast_in_dim3A_404 = vector.broadcast %jit3A_403 : i32 to vector<1024x128xi32>
    %select_n3A_405 = arith.select %gt3A_400, %broadcast_in_dim3A_404, %select_n3A_393 : vector<1024x128xi1>, vector<1024x128xi32>
    %select_n3A_406 = arith.select %gt3A_399, %select_n3A_397, %select_n3A_405 : vector<1024x128xi1>, vector<1024x128xi32>
    %select_n3A_407 = arith.select %gt3A_399, %slice3A_398, %select_n3A_394 : vector<1024x128xi1>, vector<1024x128xf32>
    %jit3A_408 = arith.constant 28 : i32
    %broadcast_in_dim3A_409 = vector.broadcast %jit3A_408 : i32 to vector<1024x128xi32>
    %select_n3A_410 = arith.select %gt3A_399, %broadcast_in_dim3A_409, %select_n3A_397 : vector<1024x128xi1>, vector<1024x128xi32>
    %slice3A_411 = vector.extract_strided_slice %dot_general3A_384 {offsets = [0, 256], sizes = [1024, 128], strides = [1, 1]} : vector<1024x1152xf32> to vector<1024x128xf32>
    %gt3A_412 = arith.cmpf ogt, %slice3A_411, %select_n3A_407 : vector<1024x128xf32>
    %gt3A_413 = arith.cmpf ogt, %slice3A_411, %select_n3A_402 : vector<1024x128xf32>
    %select_n3A_414 = arith.select %gt3A_413, %slice3A_411, %select_n3A_402 : vector<1024x128xi1>, vector<1024x128xf32>
    %select_n3A_415 = arith.select %gt3A_412, %select_n3A_407, %select_n3A_414 : vector<1024x128xi1>, vector<1024x128xf32>
    %jit3A_416 = arith.constant 29 : i32
    %broadcast_in_dim3A_417 = vector.broadcast %jit3A_416 : i32 to vector<1024x128xi32>
    %select_n3A_418 = arith.select %gt3A_413, %broadcast_in_dim3A_417, %select_n3A_406 : vector<1024x128xi1>, vector<1024x128xi32>
    %select_n3A_419 = arith.select %gt3A_412, %select_n3A_410, %select_n3A_418 : vector<1024x128xi1>, vector<1024x128xi32>
    %select_n3A_420 = arith.select %gt3A_412, %slice3A_411, %select_n3A_407 : vector<1024x128xi1>, vector<1024x128xf32>
    %jit3A_421 = arith.constant 29 : i32
    %broadcast_in_dim3A_422 = vector.broadcast %jit3A_421 : i32 to vector<1024x128xi32>
    %select_n3A_423 = arith.select %gt3A_412, %broadcast_in_dim3A_422, %select_n3A_410 : vector<1024x128xi1>, vector<1024x128xi32>
    %slice3A_424 = vector.extract_strided_slice %dot_general3A_384 {offsets = [0, 384], sizes = [1024, 128], strides = [1, 1]} : vector<1024x1152xf32> to vector<1024x128xf32>
    %gt3A_425 = arith.cmpf ogt, %slice3A_424, %select_n3A_420 : vector<1024x128xf32>
    %gt3A_426 = arith.cmpf ogt, %slice3A_424, %select_n3A_415 : vector<1024x128xf32>
    %select_n3A_427 = arith.select %gt3A_426, %slice3A_424, %select_n3A_415 : vector<1024x128xi1>, vector<1024x128xf32>
    %select_n3A_428 = arith.select %gt3A_425, %select_n3A_420, %select_n3A_427 : vector<1024x128xi1>, vector<1024x128xf32>
    %jit3A_429 = arith.constant 30 : i32
    %broadcast_in_dim3A_430 = vector.broadcast %jit3A_429 : i32 to vector<1024x128xi32>
    %select_n3A_431 = arith.select %gt3A_426, %broadcast_in_dim3A_430, %select_n3A_419 : vector<1024x128xi1>, vector<1024x128xi32>
    %select_n3A_432 = arith.select %gt3A_425, %select_n3A_423, %select_n3A_431 : vector<1024x128xi1>, vector<1024x128xi32>
    %select_n3A_433 = arith.select %gt3A_425, %slice3A_424, %select_n3A_420 : vector<1024x128xi1>, vector<1024x128xf32>
    %jit3A_434 = arith.constant 30 : i32
    %broadcast_in_dim3A_435 = vector.broadcast %jit3A_434 : i32 to vector<1024x128xi32>
    %select_n3A_436 = arith.select %gt3A_425, %broadcast_in_dim3A_435, %select_n3A_423 : vector<1024x128xi1>, vector<1024x128xi32>
    %slice3A_437 = vector.extract_strided_slice %dot_general3A_384 {offsets = [0, 512], sizes = [1024, 128], strides = [1, 1]} : vector<1024x1152xf32> to vector<1024x128xf32>
    %gt3A_438 = arith.cmpf ogt, %slice3A_437, %select_n3A_433 : vector<1024x128xf32>
    %gt3A_439 = arith.cmpf ogt, %slice3A_437, %select_n3A_428 : vector<1024x128xf32>
    %select_n3A_440 = arith.select %gt3A_439, %slice3A_437, %select_n3A_428 : vector<1024x128xi1>, vector<1024x128xf32>
    %select_n3A_441 = arith.select %gt3A_438, %select_n3A_433, %select_n3A_440 : vector<1024x128xi1>, vector<1024x128xf32>
    %jit3A_442 = arith.constant 31 : i32
    %broadcast_in_dim3A_443 = vector.broadcast %jit3A_442 : i32 to vector<1024x128xi32>
    %select_n3A_444 = arith.select %gt3A_439, %broadcast_in_dim3A_443, %select_n3A_432 : vector<1024x128xi1>, vector<1024x128xi32>
    %select_n3A_445 = arith.select %gt3A_438, %select_n3A_436, %select_n3A_444 : vector<1024x128xi1>, vector<1024x128xi32>
    %select_n3A_446 = arith.select %gt3A_438, %slice3A_437, %select_n3A_433 : vector<1024x128xi1>, vector<1024x128xf32>
    %jit3A_447 = arith.constant 31 : i32
    %broadcast_in_dim3A_448 = vector.broadcast %jit3A_447 : i32 to vector<1024x128xi32>
    %select_n3A_449 = arith.select %gt3A_438, %broadcast_in_dim3A_448, %select_n3A_436 : vector<1024x128xi1>, vector<1024x128xi32>
    %slice3A_450 = vector.extract_strided_slice %dot_general3A_384 {offsets = [0, 640], sizes = [1024, 128], strides = [1, 1]} : vector<1024x1152xf32> to vector<1024x128xf32>
    %gt3A_451 = arith.cmpf ogt, %slice3A_450, %select_n3A_446 : vector<1024x128xf32>
    %gt3A_452 = arith.cmpf ogt, %slice3A_450, %select_n3A_441 : vector<1024x128xf32>
    %select_n3A_453 = arith.select %gt3A_452, %slice3A_450, %select_n3A_441 : vector<1024x128xi1>, vector<1024x128xf32>
    %select_n3A_454 = arith.select %gt3A_451, %select_n3A_446, %select_n3A_453 : vector<1024x128xi1>, vector<1024x128xf32>
    %jit3A_455 = arith.constant 32 : i32
    %broadcast_in_dim3A_456 = vector.broadcast %jit3A_455 : i32 to vector<1024x128xi32>
    %select_n3A_457 = arith.select %gt3A_452, %broadcast_in_dim3A_456, %select_n3A_445 : vector<1024x128xi1>, vector<1024x128xi32>
    %select_n3A_458 = arith.select %gt3A_451, %select_n3A_449, %select_n3A_457 : vector<1024x128xi1>, vector<1024x128xi32>
    %select_n3A_459 = arith.select %gt3A_451, %slice3A_450, %select_n3A_446 : vector<1024x128xi1>, vector<1024x128xf32>
    %jit3A_460 = arith.constant 32 : i32
    %broadcast_in_dim3A_461 = vector.broadcast %jit3A_460 : i32 to vector<1024x128xi32>
    %select_n3A_462 = arith.select %gt3A_451, %broadcast_in_dim3A_461, %select_n3A_449 : vector<1024x128xi1>, vector<1024x128xi32>
    %slice3A_463 = vector.extract_strided_slice %dot_general3A_384 {offsets = [0, 768], sizes = [1024, 128], strides = [1, 1]} : vector<1024x1152xf32> to vector<1024x128xf32>
    %gt3A_464 = arith.cmpf ogt, %slice3A_463, %select_n3A_459 : vector<1024x128xf32>
    %gt3A_465 = arith.cmpf ogt, %slice3A_463, %select_n3A_454 : vector<1024x128xf32>
    %select_n3A_466 = arith.select %gt3A_465, %slice3A_463, %select_n3A_454 : vector<1024x128xi1>, vector<1024x128xf32>
    %select_n3A_467 = arith.select %gt3A_464, %select_n3A_459, %select_n3A_466 : vector<1024x128xi1>, vector<1024x128xf32>
    %jit3A_468 = arith.constant 33 : i32
    %broadcast_in_dim3A_469 = vector.broadcast %jit3A_468 : i32 to vector<1024x128xi32>
    %select_n3A_470 = arith.select %gt3A_465, %broadcast_in_dim3A_469, %select_n3A_458 : vector<1024x128xi1>, vector<1024x128xi32>
    %select_n3A_471 = arith.select %gt3A_464, %select_n3A_462, %select_n3A_470 : vector<1024x128xi1>, vector<1024x128xi32>
    %select_n3A_472 = arith.select %gt3A_464, %slice3A_463, %select_n3A_459 : vector<1024x128xi1>, vector<1024x128xf32>
    %jit3A_473 = arith.constant 33 : i32
    %broadcast_in_dim3A_474 = vector.broadcast %jit3A_473 : i32 to vector<1024x128xi32>
    %select_n3A_475 = arith.select %gt3A_464, %broadcast_in_dim3A_474, %select_n3A_462 : vector<1024x128xi1>, vector<1024x128xi32>
    %slice3A_476 = vector.extract_strided_slice %dot_general3A_384 {offsets = [0, 896], sizes = [1024, 128], strides = [1, 1]} : vector<1024x1152xf32> to vector<1024x128xf32>
    %gt3A_477 = arith.cmpf ogt, %slice3A_476, %select_n3A_472 : vector<1024x128xf32>
    %gt3A_478 = arith.cmpf ogt, %slice3A_476, %select_n3A_467 : vector<1024x128xf32>
    %select_n3A_479 = arith.select %gt3A_478, %slice3A_476, %select_n3A_467 : vector<1024x128xi1>, vector<1024x128xf32>
    %select_n3A_480 = arith.select %gt3A_477, %select_n3A_472, %select_n3A_479 : vector<1024x128xi1>, vector<1024x128xf32>
    %jit3A_481 = arith.constant 34 : i32
    %broadcast_in_dim3A_482 = vector.broadcast %jit3A_481 : i32 to vector<1024x128xi32>
    %select_n3A_483 = arith.select %gt3A_478, %broadcast_in_dim3A_482, %select_n3A_471 : vector<1024x128xi1>, vector<1024x128xi32>
    %select_n3A_484 = arith.select %gt3A_477, %select_n3A_475, %select_n3A_483 : vector<1024x128xi1>, vector<1024x128xi32>
    %select_n3A_485 = arith.select %gt3A_477, %slice3A_476, %select_n3A_472 : vector<1024x128xi1>, vector<1024x128xf32>
    %jit3A_486 = arith.constant 34 : i32
    %broadcast_in_dim3A_487 = vector.broadcast %jit3A_486 : i32 to vector<1024x128xi32>
    %select_n3A_488 = arith.select %gt3A_477, %broadcast_in_dim3A_487, %select_n3A_475 : vector<1024x128xi1>, vector<1024x128xi32>
    %slice3A_489 = vector.extract_strided_slice %dot_general3A_384 {offsets = [0, 1024], sizes = [1024, 128], strides = [1, 1]} : vector<1024x1152xf32> to vector<1024x128xf32>
    %gt3A_490 = arith.cmpf ogt, %slice3A_489, %select_n3A_485 : vector<1024x128xf32>
    %gt3A_491 = arith.cmpf ogt, %slice3A_489, %select_n3A_480 : vector<1024x128xf32>
    %select_n3A_492 = arith.select %gt3A_491, %slice3A_489, %select_n3A_480 : vector<1024x128xi1>, vector<1024x128xf32>
    %select_n3A_493 = arith.select %gt3A_490, %select_n3A_485, %select_n3A_492 : vector<1024x128xi1>, vector<1024x128xf32>
    %jit3A_494 = arith.constant 35 : i32
    %broadcast_in_dim3A_495 = vector.broadcast %jit3A_494 : i32 to vector<1024x128xi32>
    %select_n3A_496 = arith.select %gt3A_491, %broadcast_in_dim3A_495, %select_n3A_484 : vector<1024x128xi1>, vector<1024x128xi32>
    %select_n3A_497 = arith.select %gt3A_490, %select_n3A_488, %select_n3A_496 : vector<1024x128xi1>, vector<1024x128xi32>
    %select_n3A_498 = arith.select %gt3A_490, %slice3A_489, %select_n3A_485 : vector<1024x128xi1>, vector<1024x128xf32>
    %jit3A_499 = arith.constant 35 : i32
    %broadcast_in_dim3A_500 = vector.broadcast %jit3A_499 : i32 to vector<1024x128xi32>
    %select_n3A_501 = arith.select %gt3A_490, %broadcast_in_dim3A_500, %select_n3A_488 : vector<1024x128xi1>, vector<1024x128xi32>
    %slice3A_502 = vector.extract_strided_slice %concatenate3A_17 {offsets = [0, 4608], sizes = [4, 1152], strides = [1, 1]} : vector<4x6912xf32> to vector<4x1152xf32>
    %dot_general3A_503 = arith.constant dense<0.000000e+00> : vector<1024x1152xf32>
    %dot_general3A_504 = tpu.matmul %concatenate3A, %slice3A_502, %dot_general3A_503 {dimension_numbers = #tpu.dot_dimension_numbers<[1], [0], [0], [1], [0, 0, 1, 1], [], []>, precision = #tpu.contract_precision<fp32>, transpose_lhs_hint = false} : vector<1024x4xf32>, vector<4x1152xf32>, vector<1024x1152xf32> -> vector<1024x1152xf32>
    %slice3A_505 = vector.extract_strided_slice %dot_general3A_504 {offsets = [0, 0], sizes = [1024, 128], strides = [1, 1]} : vector<1024x1152xf32> to vector<1024x128xf32>
    %gt3A_506 = arith.cmpf ogt, %slice3A_505, %select_n3A_498 : vector<1024x128xf32>
    %gt3A_507 = arith.cmpf ogt, %slice3A_505, %select_n3A_493 : vector<1024x128xf32>
    %select_n3A_508 = arith.select %gt3A_507, %slice3A_505, %select_n3A_493 : vector<1024x128xi1>, vector<1024x128xf32>
    %select_n3A_509 = arith.select %gt3A_506, %select_n3A_498, %select_n3A_508 : vector<1024x128xi1>, vector<1024x128xf32>
    %jit3A_510 = arith.constant 36 : i32
    %broadcast_in_dim3A_511 = vector.broadcast %jit3A_510 : i32 to vector<1024x128xi32>
    %select_n3A_512 = arith.select %gt3A_507, %broadcast_in_dim3A_511, %select_n3A_497 : vector<1024x128xi1>, vector<1024x128xi32>
    %select_n3A_513 = arith.select %gt3A_506, %select_n3A_501, %select_n3A_512 : vector<1024x128xi1>, vector<1024x128xi32>
    %select_n3A_514 = arith.select %gt3A_506, %slice3A_505, %select_n3A_498 : vector<1024x128xi1>, vector<1024x128xf32>
    %jit3A_515 = arith.constant 36 : i32
    %broadcast_in_dim3A_516 = vector.broadcast %jit3A_515 : i32 to vector<1024x128xi32>
    %select_n3A_517 = arith.select %gt3A_506, %broadcast_in_dim3A_516, %select_n3A_501 : vector<1024x128xi1>, vector<1024x128xi32>
    %slice3A_518 = vector.extract_strided_slice %dot_general3A_504 {offsets = [0, 128], sizes = [1024, 128], strides = [1, 1]} : vector<1024x1152xf32> to vector<1024x128xf32>
    %gt3A_519 = arith.cmpf ogt, %slice3A_518, %select_n3A_514 : vector<1024x128xf32>
    %gt3A_520 = arith.cmpf ogt, %slice3A_518, %select_n3A_509 : vector<1024x128xf32>
    %select_n3A_521 = arith.select %gt3A_520, %slice3A_518, %select_n3A_509 : vector<1024x128xi1>, vector<1024x128xf32>
    %select_n3A_522 = arith.select %gt3A_519, %select_n3A_514, %select_n3A_521 : vector<1024x128xi1>, vector<1024x128xf32>
    %jit3A_523 = arith.constant 37 : i32
    %broadcast_in_dim3A_524 = vector.broadcast %jit3A_523 : i32 to vector<1024x128xi32>
    %select_n3A_525 = arith.select %gt3A_520, %broadcast_in_dim3A_524, %select_n3A_513 : vector<1024x128xi1>, vector<1024x128xi32>
    %select_n3A_526 = arith.select %gt3A_519, %select_n3A_517, %select_n3A_525 : vector<1024x128xi1>, vector<1024x128xi32>
    %select_n3A_527 = arith.select %gt3A_519, %slice3A_518, %select_n3A_514 : vector<1024x128xi1>, vector<1024x128xf32>
    %jit3A_528 = arith.constant 37 : i32
    %broadcast_in_dim3A_529 = vector.broadcast %jit3A_528 : i32 to vector<1024x128xi32>
    %select_n3A_530 = arith.select %gt3A_519, %broadcast_in_dim3A_529, %select_n3A_517 : vector<1024x128xi1>, vector<1024x128xi32>
    %slice3A_531 = vector.extract_strided_slice %dot_general3A_504 {offsets = [0, 256], sizes = [1024, 128], strides = [1, 1]} : vector<1024x1152xf32> to vector<1024x128xf32>
    %gt3A_532 = arith.cmpf ogt, %slice3A_531, %select_n3A_527 : vector<1024x128xf32>
    %gt3A_533 = arith.cmpf ogt, %slice3A_531, %select_n3A_522 : vector<1024x128xf32>
    %select_n3A_534 = arith.select %gt3A_533, %slice3A_531, %select_n3A_522 : vector<1024x128xi1>, vector<1024x128xf32>
    %select_n3A_535 = arith.select %gt3A_532, %select_n3A_527, %select_n3A_534 : vector<1024x128xi1>, vector<1024x128xf32>
    %jit3A_536 = arith.constant 38 : i32
    %broadcast_in_dim3A_537 = vector.broadcast %jit3A_536 : i32 to vector<1024x128xi32>
    %select_n3A_538 = arith.select %gt3A_533, %broadcast_in_dim3A_537, %select_n3A_526 : vector<1024x128xi1>, vector<1024x128xi32>
    %select_n3A_539 = arith.select %gt3A_532, %select_n3A_530, %select_n3A_538 : vector<1024x128xi1>, vector<1024x128xi32>
    %select_n3A_540 = arith.select %gt3A_532, %slice3A_531, %select_n3A_527 : vector<1024x128xi1>, vector<1024x128xf32>
    %jit3A_541 = arith.constant 38 : i32
    %broadcast_in_dim3A_542 = vector.broadcast %jit3A_541 : i32 to vector<1024x128xi32>
    %select_n3A_543 = arith.select %gt3A_532, %broadcast_in_dim3A_542, %select_n3A_530 : vector<1024x128xi1>, vector<1024x128xi32>
    %slice3A_544 = vector.extract_strided_slice %dot_general3A_504 {offsets = [0, 384], sizes = [1024, 128], strides = [1, 1]} : vector<1024x1152xf32> to vector<1024x128xf32>
    %gt3A_545 = arith.cmpf ogt, %slice3A_544, %select_n3A_540 : vector<1024x128xf32>
    %gt3A_546 = arith.cmpf ogt, %slice3A_544, %select_n3A_535 : vector<1024x128xf32>
    %select_n3A_547 = arith.select %gt3A_546, %slice3A_544, %select_n3A_535 : vector<1024x128xi1>, vector<1024x128xf32>
    %select_n3A_548 = arith.select %gt3A_545, %select_n3A_540, %select_n3A_547 : vector<1024x128xi1>, vector<1024x128xf32>
    %jit3A_549 = arith.constant 39 : i32
    %broadcast_in_dim3A_550 = vector.broadcast %jit3A_549 : i32 to vector<1024x128xi32>
    %select_n3A_551 = arith.select %gt3A_546, %broadcast_in_dim3A_550, %select_n3A_539 : vector<1024x128xi1>, vector<1024x128xi32>
    %select_n3A_552 = arith.select %gt3A_545, %select_n3A_543, %select_n3A_551 : vector<1024x128xi1>, vector<1024x128xi32>
    %select_n3A_553 = arith.select %gt3A_545, %slice3A_544, %select_n3A_540 : vector<1024x128xi1>, vector<1024x128xf32>
    %jit3A_554 = arith.constant 39 : i32
    %broadcast_in_dim3A_555 = vector.broadcast %jit3A_554 : i32 to vector<1024x128xi32>
    %select_n3A_556 = arith.select %gt3A_545, %broadcast_in_dim3A_555, %select_n3A_543 : vector<1024x128xi1>, vector<1024x128xi32>
    %slice3A_557 = vector.extract_strided_slice %dot_general3A_504 {offsets = [0, 512], sizes = [1024, 128], strides = [1, 1]} : vector<1024x1152xf32> to vector<1024x128xf32>
    %gt3A_558 = arith.cmpf ogt, %slice3A_557, %select_n3A_553 : vector<1024x128xf32>
    %gt3A_559 = arith.cmpf ogt, %slice3A_557, %select_n3A_548 : vector<1024x128xf32>
    %select_n3A_560 = arith.select %gt3A_559, %slice3A_557, %select_n3A_548 : vector<1024x128xi1>, vector<1024x128xf32>
    %select_n3A_561 = arith.select %gt3A_558, %select_n3A_553, %select_n3A_560 : vector<1024x128xi1>, vector<1024x128xf32>
    %jit3A_562 = arith.constant 40 : i32
    %broadcast_in_dim3A_563 = vector.broadcast %jit3A_562 : i32 to vector<1024x128xi32>
    %select_n3A_564 = arith.select %gt3A_559, %broadcast_in_dim3A_563, %select_n3A_552 : vector<1024x128xi1>, vector<1024x128xi32>
    %select_n3A_565 = arith.select %gt3A_558, %select_n3A_556, %select_n3A_564 : vector<1024x128xi1>, vector<1024x128xi32>
    %select_n3A_566 = arith.select %gt3A_558, %slice3A_557, %select_n3A_553 : vector<1024x128xi1>, vector<1024x128xf32>
    %jit3A_567 = arith.constant 40 : i32
    %broadcast_in_dim3A_568 = vector.broadcast %jit3A_567 : i32 to vector<1024x128xi32>
    %select_n3A_569 = arith.select %gt3A_558, %broadcast_in_dim3A_568, %select_n3A_556 : vector<1024x128xi1>, vector<1024x128xi32>
    %slice3A_570 = vector.extract_strided_slice %dot_general3A_504 {offsets = [0, 640], sizes = [1024, 128], strides = [1, 1]} : vector<1024x1152xf32> to vector<1024x128xf32>
    %gt3A_571 = arith.cmpf ogt, %slice3A_570, %select_n3A_566 : vector<1024x128xf32>
    %gt3A_572 = arith.cmpf ogt, %slice3A_570, %select_n3A_561 : vector<1024x128xf32>
    %select_n3A_573 = arith.select %gt3A_572, %slice3A_570, %select_n3A_561 : vector<1024x128xi1>, vector<1024x128xf32>
    %select_n3A_574 = arith.select %gt3A_571, %select_n3A_566, %select_n3A_573 : vector<1024x128xi1>, vector<1024x128xf32>
    %jit3A_575 = arith.constant 41 : i32
    %broadcast_in_dim3A_576 = vector.broadcast %jit3A_575 : i32 to vector<1024x128xi32>
    %select_n3A_577 = arith.select %gt3A_572, %broadcast_in_dim3A_576, %select_n3A_565 : vector<1024x128xi1>, vector<1024x128xi32>
    %select_n3A_578 = arith.select %gt3A_571, %select_n3A_569, %select_n3A_577 : vector<1024x128xi1>, vector<1024x128xi32>
    %select_n3A_579 = arith.select %gt3A_571, %slice3A_570, %select_n3A_566 : vector<1024x128xi1>, vector<1024x128xf32>
    %jit3A_580 = arith.constant 41 : i32
    %broadcast_in_dim3A_581 = vector.broadcast %jit3A_580 : i32 to vector<1024x128xi32>
    %select_n3A_582 = arith.select %gt3A_571, %broadcast_in_dim3A_581, %select_n3A_569 : vector<1024x128xi1>, vector<1024x128xi32>
    %slice3A_583 = vector.extract_strided_slice %dot_general3A_504 {offsets = [0, 768], sizes = [1024, 128], strides = [1, 1]} : vector<1024x1152xf32> to vector<1024x128xf32>
    %gt3A_584 = arith.cmpf ogt, %slice3A_583, %select_n3A_579 : vector<1024x128xf32>
    %gt3A_585 = arith.cmpf ogt, %slice3A_583, %select_n3A_574 : vector<1024x128xf32>
    %select_n3A_586 = arith.select %gt3A_585, %slice3A_583, %select_n3A_574 : vector<1024x128xi1>, vector<1024x128xf32>
    %select_n3A_587 = arith.select %gt3A_584, %select_n3A_579, %select_n3A_586 : vector<1024x128xi1>, vector<1024x128xf32>
    %jit3A_588 = arith.constant 42 : i32
    %broadcast_in_dim3A_589 = vector.broadcast %jit3A_588 : i32 to vector<1024x128xi32>
    %select_n3A_590 = arith.select %gt3A_585, %broadcast_in_dim3A_589, %select_n3A_578 : vector<1024x128xi1>, vector<1024x128xi32>
    %select_n3A_591 = arith.select %gt3A_584, %select_n3A_582, %select_n3A_590 : vector<1024x128xi1>, vector<1024x128xi32>
    %select_n3A_592 = arith.select %gt3A_584, %slice3A_583, %select_n3A_579 : vector<1024x128xi1>, vector<1024x128xf32>
    %jit3A_593 = arith.constant 42 : i32
    %broadcast_in_dim3A_594 = vector.broadcast %jit3A_593 : i32 to vector<1024x128xi32>
    %select_n3A_595 = arith.select %gt3A_584, %broadcast_in_dim3A_594, %select_n3A_582 : vector<1024x128xi1>, vector<1024x128xi32>
    %slice3A_596 = vector.extract_strided_slice %dot_general3A_504 {offsets = [0, 896], sizes = [1024, 128], strides = [1, 1]} : vector<1024x1152xf32> to vector<1024x128xf32>
    %gt3A_597 = arith.cmpf ogt, %slice3A_596, %select_n3A_592 : vector<1024x128xf32>
    %gt3A_598 = arith.cmpf ogt, %slice3A_596, %select_n3A_587 : vector<1024x128xf32>
    %select_n3A_599 = arith.select %gt3A_598, %slice3A_596, %select_n3A_587 : vector<1024x128xi1>, vector<1024x128xf32>
    %select_n3A_600 = arith.select %gt3A_597, %select_n3A_592, %select_n3A_599 : vector<1024x128xi1>, vector<1024x128xf32>
    %jit3A_601 = arith.constant 43 : i32
    %broadcast_in_dim3A_602 = vector.broadcast %jit3A_601 : i32 to vector<1024x128xi32>
    %select_n3A_603 = arith.select %gt3A_598, %broadcast_in_dim3A_602, %select_n3A_591 : vector<1024x128xi1>, vector<1024x128xi32>
    %select_n3A_604 = arith.select %gt3A_597, %select_n3A_595, %select_n3A_603 : vector<1024x128xi1>, vector<1024x128xi32>
    %select_n3A_605 = arith.select %gt3A_597, %slice3A_596, %select_n3A_592 : vector<1024x128xi1>, vector<1024x128xf32>
    %jit3A_606 = arith.constant 43 : i32
    %broadcast_in_dim3A_607 = vector.broadcast %jit3A_606 : i32 to vector<1024x128xi32>
    %select_n3A_608 = arith.select %gt3A_597, %broadcast_in_dim3A_607, %select_n3A_595 : vector<1024x128xi1>, vector<1024x128xi32>
    %slice3A_609 = vector.extract_strided_slice %dot_general3A_504 {offsets = [0, 1024], sizes = [1024, 128], strides = [1, 1]} : vector<1024x1152xf32> to vector<1024x128xf32>
    %gt3A_610 = arith.cmpf ogt, %slice3A_609, %select_n3A_605 : vector<1024x128xf32>
    %gt3A_611 = arith.cmpf ogt, %slice3A_609, %select_n3A_600 : vector<1024x128xf32>
    %select_n3A_612 = arith.select %gt3A_611, %slice3A_609, %select_n3A_600 : vector<1024x128xi1>, vector<1024x128xf32>
    %select_n3A_613 = arith.select %gt3A_610, %select_n3A_605, %select_n3A_612 : vector<1024x128xi1>, vector<1024x128xf32>
    %jit3A_614 = arith.constant 44 : i32
    %broadcast_in_dim3A_615 = vector.broadcast %jit3A_614 : i32 to vector<1024x128xi32>
    %select_n3A_616 = arith.select %gt3A_611, %broadcast_in_dim3A_615, %select_n3A_604 : vector<1024x128xi1>, vector<1024x128xi32>
    %select_n3A_617 = arith.select %gt3A_610, %select_n3A_608, %select_n3A_616 : vector<1024x128xi1>, vector<1024x128xi32>
    %select_n3A_618 = arith.select %gt3A_610, %slice3A_609, %select_n3A_605 : vector<1024x128xi1>, vector<1024x128xf32>
    %jit3A_619 = arith.constant 44 : i32
    %broadcast_in_dim3A_620 = vector.broadcast %jit3A_619 : i32 to vector<1024x128xi32>
    %select_n3A_621 = arith.select %gt3A_610, %broadcast_in_dim3A_620, %select_n3A_608 : vector<1024x128xi1>, vector<1024x128xi32>
    %slice3A_622 = vector.extract_strided_slice %concatenate3A_17 {offsets = [0, 5760], sizes = [4, 1152], strides = [1, 1]} : vector<4x6912xf32> to vector<4x1152xf32>
    %dot_general3A_623 = arith.constant dense<0.000000e+00> : vector<1024x1152xf32>
    %dot_general3A_624 = tpu.matmul %concatenate3A, %slice3A_622, %dot_general3A_623 {dimension_numbers = #tpu.dot_dimension_numbers<[1], [0], [0], [1], [0, 0, 1, 1], [], []>, precision = #tpu.contract_precision<fp32>, transpose_lhs_hint = false} : vector<1024x4xf32>, vector<4x1152xf32>, vector<1024x1152xf32> -> vector<1024x1152xf32>
    %slice3A_625 = vector.extract_strided_slice %dot_general3A_624 {offsets = [0, 0], sizes = [1024, 128], strides = [1, 1]} : vector<1024x1152xf32> to vector<1024x128xf32>
    %gt3A_626 = arith.cmpf ogt, %slice3A_625, %select_n3A_618 : vector<1024x128xf32>
    %gt3A_627 = arith.cmpf ogt, %slice3A_625, %select_n3A_613 : vector<1024x128xf32>
    %select_n3A_628 = arith.select %gt3A_627, %slice3A_625, %select_n3A_613 : vector<1024x128xi1>, vector<1024x128xf32>
    %select_n3A_629 = arith.select %gt3A_626, %select_n3A_618, %select_n3A_628 : vector<1024x128xi1>, vector<1024x128xf32>
    %jit3A_630 = arith.constant 45 : i32
    %broadcast_in_dim3A_631 = vector.broadcast %jit3A_630 : i32 to vector<1024x128xi32>
    %select_n3A_632 = arith.select %gt3A_627, %broadcast_in_dim3A_631, %select_n3A_617 : vector<1024x128xi1>, vector<1024x128xi32>
    %select_n3A_633 = arith.select %gt3A_626, %select_n3A_621, %select_n3A_632 : vector<1024x128xi1>, vector<1024x128xi32>
    %select_n3A_634 = arith.select %gt3A_626, %slice3A_625, %select_n3A_618 : vector<1024x128xi1>, vector<1024x128xf32>
    %jit3A_635 = arith.constant 45 : i32
    %broadcast_in_dim3A_636 = vector.broadcast %jit3A_635 : i32 to vector<1024x128xi32>
    %select_n3A_637 = arith.select %gt3A_626, %broadcast_in_dim3A_636, %select_n3A_621 : vector<1024x128xi1>, vector<1024x128xi32>
    %slice3A_638 = vector.extract_strided_slice %dot_general3A_624 {offsets = [0, 128], sizes = [1024, 128], strides = [1, 1]} : vector<1024x1152xf32> to vector<1024x128xf32>
    %gt3A_639 = arith.cmpf ogt, %slice3A_638, %select_n3A_634 : vector<1024x128xf32>
    %gt3A_640 = arith.cmpf ogt, %slice3A_638, %select_n3A_629 : vector<1024x128xf32>
    %select_n3A_641 = arith.select %gt3A_640, %slice3A_638, %select_n3A_629 : vector<1024x128xi1>, vector<1024x128xf32>
    %select_n3A_642 = arith.select %gt3A_639, %select_n3A_634, %select_n3A_641 : vector<1024x128xi1>, vector<1024x128xf32>
    %jit3A_643 = arith.constant 46 : i32
    %broadcast_in_dim3A_644 = vector.broadcast %jit3A_643 : i32 to vector<1024x128xi32>
    %select_n3A_645 = arith.select %gt3A_640, %broadcast_in_dim3A_644, %select_n3A_633 : vector<1024x128xi1>, vector<1024x128xi32>
    %select_n3A_646 = arith.select %gt3A_639, %select_n3A_637, %select_n3A_645 : vector<1024x128xi1>, vector<1024x128xi32>
    %select_n3A_647 = arith.select %gt3A_639, %slice3A_638, %select_n3A_634 : vector<1024x128xi1>, vector<1024x128xf32>
    %jit3A_648 = arith.constant 46 : i32
    %broadcast_in_dim3A_649 = vector.broadcast %jit3A_648 : i32 to vector<1024x128xi32>
    %select_n3A_650 = arith.select %gt3A_639, %broadcast_in_dim3A_649, %select_n3A_637 : vector<1024x128xi1>, vector<1024x128xi32>
    %slice3A_651 = vector.extract_strided_slice %dot_general3A_624 {offsets = [0, 256], sizes = [1024, 128], strides = [1, 1]} : vector<1024x1152xf32> to vector<1024x128xf32>
    %gt3A_652 = arith.cmpf ogt, %slice3A_651, %select_n3A_647 : vector<1024x128xf32>
    %gt3A_653 = arith.cmpf ogt, %slice3A_651, %select_n3A_642 : vector<1024x128xf32>
    %select_n3A_654 = arith.select %gt3A_653, %slice3A_651, %select_n3A_642 : vector<1024x128xi1>, vector<1024x128xf32>
    %select_n3A_655 = arith.select %gt3A_652, %select_n3A_647, %select_n3A_654 : vector<1024x128xi1>, vector<1024x128xf32>
    %jit3A_656 = arith.constant 47 : i32
    %broadcast_in_dim3A_657 = vector.broadcast %jit3A_656 : i32 to vector<1024x128xi32>
    %select_n3A_658 = arith.select %gt3A_653, %broadcast_in_dim3A_657, %select_n3A_646 : vector<1024x128xi1>, vector<1024x128xi32>
    %select_n3A_659 = arith.select %gt3A_652, %select_n3A_650, %select_n3A_658 : vector<1024x128xi1>, vector<1024x128xi32>
    %select_n3A_660 = arith.select %gt3A_652, %slice3A_651, %select_n3A_647 : vector<1024x128xi1>, vector<1024x128xf32>
    %jit3A_661 = arith.constant 47 : i32
    %broadcast_in_dim3A_662 = vector.broadcast %jit3A_661 : i32 to vector<1024x128xi32>
    %select_n3A_663 = arith.select %gt3A_652, %broadcast_in_dim3A_662, %select_n3A_650 : vector<1024x128xi1>, vector<1024x128xi32>
    %slice3A_664 = vector.extract_strided_slice %dot_general3A_624 {offsets = [0, 384], sizes = [1024, 128], strides = [1, 1]} : vector<1024x1152xf32> to vector<1024x128xf32>
    %gt3A_665 = arith.cmpf ogt, %slice3A_664, %select_n3A_660 : vector<1024x128xf32>
    %gt3A_666 = arith.cmpf ogt, %slice3A_664, %select_n3A_655 : vector<1024x128xf32>
    %select_n3A_667 = arith.select %gt3A_666, %slice3A_664, %select_n3A_655 : vector<1024x128xi1>, vector<1024x128xf32>
    %select_n3A_668 = arith.select %gt3A_665, %select_n3A_660, %select_n3A_667 : vector<1024x128xi1>, vector<1024x128xf32>
    %jit3A_669 = arith.constant 48 : i32
    %broadcast_in_dim3A_670 = vector.broadcast %jit3A_669 : i32 to vector<1024x128xi32>
    %select_n3A_671 = arith.select %gt3A_666, %broadcast_in_dim3A_670, %select_n3A_659 : vector<1024x128xi1>, vector<1024x128xi32>
    %select_n3A_672 = arith.select %gt3A_665, %select_n3A_663, %select_n3A_671 : vector<1024x128xi1>, vector<1024x128xi32>
    %select_n3A_673 = arith.select %gt3A_665, %slice3A_664, %select_n3A_660 : vector<1024x128xi1>, vector<1024x128xf32>
    %jit3A_674 = arith.constant 48 : i32
    %broadcast_in_dim3A_675 = vector.broadcast %jit3A_674 : i32 to vector<1024x128xi32>
    %select_n3A_676 = arith.select %gt3A_665, %broadcast_in_dim3A_675, %select_n3A_663 : vector<1024x128xi1>, vector<1024x128xi32>
    %slice3A_677 = vector.extract_strided_slice %dot_general3A_624 {offsets = [0, 512], sizes = [1024, 128], strides = [1, 1]} : vector<1024x1152xf32> to vector<1024x128xf32>
    %gt3A_678 = arith.cmpf ogt, %slice3A_677, %select_n3A_673 : vector<1024x128xf32>
    %gt3A_679 = arith.cmpf ogt, %slice3A_677, %select_n3A_668 : vector<1024x128xf32>
    %select_n3A_680 = arith.select %gt3A_679, %slice3A_677, %select_n3A_668 : vector<1024x128xi1>, vector<1024x128xf32>
    %select_n3A_681 = arith.select %gt3A_678, %select_n3A_673, %select_n3A_680 : vector<1024x128xi1>, vector<1024x128xf32>
    %jit3A_682 = arith.constant 49 : i32
    %broadcast_in_dim3A_683 = vector.broadcast %jit3A_682 : i32 to vector<1024x128xi32>
    %select_n3A_684 = arith.select %gt3A_679, %broadcast_in_dim3A_683, %select_n3A_672 : vector<1024x128xi1>, vector<1024x128xi32>
    %select_n3A_685 = arith.select %gt3A_678, %select_n3A_676, %select_n3A_684 : vector<1024x128xi1>, vector<1024x128xi32>
    %select_n3A_686 = arith.select %gt3A_678, %slice3A_677, %select_n3A_673 : vector<1024x128xi1>, vector<1024x128xf32>
    %jit3A_687 = arith.constant 49 : i32
    %broadcast_in_dim3A_688 = vector.broadcast %jit3A_687 : i32 to vector<1024x128xi32>
    %select_n3A_689 = arith.select %gt3A_678, %broadcast_in_dim3A_688, %select_n3A_676 : vector<1024x128xi1>, vector<1024x128xi32>
    %slice3A_690 = vector.extract_strided_slice %dot_general3A_624 {offsets = [0, 640], sizes = [1024, 128], strides = [1, 1]} : vector<1024x1152xf32> to vector<1024x128xf32>
    %gt3A_691 = arith.cmpf ogt, %slice3A_690, %select_n3A_686 : vector<1024x128xf32>
    %gt3A_692 = arith.cmpf ogt, %slice3A_690, %select_n3A_681 : vector<1024x128xf32>
    %select_n3A_693 = arith.select %gt3A_692, %slice3A_690, %select_n3A_681 : vector<1024x128xi1>, vector<1024x128xf32>
    %select_n3A_694 = arith.select %gt3A_691, %select_n3A_686, %select_n3A_693 : vector<1024x128xi1>, vector<1024x128xf32>
    %jit3A_695 = arith.constant 50 : i32
    %broadcast_in_dim3A_696 = vector.broadcast %jit3A_695 : i32 to vector<1024x128xi32>
    %select_n3A_697 = arith.select %gt3A_692, %broadcast_in_dim3A_696, %select_n3A_685 : vector<1024x128xi1>, vector<1024x128xi32>
    %select_n3A_698 = arith.select %gt3A_691, %select_n3A_689, %select_n3A_697 : vector<1024x128xi1>, vector<1024x128xi32>
    %select_n3A_699 = arith.select %gt3A_691, %slice3A_690, %select_n3A_686 : vector<1024x128xi1>, vector<1024x128xf32>
    %jit3A_700 = arith.constant 50 : i32
    %broadcast_in_dim3A_701 = vector.broadcast %jit3A_700 : i32 to vector<1024x128xi32>
    %select_n3A_702 = arith.select %gt3A_691, %broadcast_in_dim3A_701, %select_n3A_689 : vector<1024x128xi1>, vector<1024x128xi32>
    %slice3A_703 = vector.extract_strided_slice %dot_general3A_624 {offsets = [0, 768], sizes = [1024, 128], strides = [1, 1]} : vector<1024x1152xf32> to vector<1024x128xf32>
    %gt3A_704 = arith.cmpf ogt, %slice3A_703, %select_n3A_699 : vector<1024x128xf32>
    %gt3A_705 = arith.cmpf ogt, %slice3A_703, %select_n3A_694 : vector<1024x128xf32>
    %select_n3A_706 = arith.select %gt3A_705, %slice3A_703, %select_n3A_694 : vector<1024x128xi1>, vector<1024x128xf32>
    %select_n3A_707 = arith.select %gt3A_704, %select_n3A_699, %select_n3A_706 : vector<1024x128xi1>, vector<1024x128xf32>
    %jit3A_708 = arith.constant 51 : i32
    %broadcast_in_dim3A_709 = vector.broadcast %jit3A_708 : i32 to vector<1024x128xi32>
    %select_n3A_710 = arith.select %gt3A_705, %broadcast_in_dim3A_709, %select_n3A_698 : vector<1024x128xi1>, vector<1024x128xi32>
    %select_n3A_711 = arith.select %gt3A_704, %select_n3A_702, %select_n3A_710 : vector<1024x128xi1>, vector<1024x128xi32>
    %select_n3A_712 = arith.select %gt3A_704, %slice3A_703, %select_n3A_699 : vector<1024x128xi1>, vector<1024x128xf32>
    %jit3A_713 = arith.constant 51 : i32
    %broadcast_in_dim3A_714 = vector.broadcast %jit3A_713 : i32 to vector<1024x128xi32>
    %select_n3A_715 = arith.select %gt3A_704, %broadcast_in_dim3A_714, %select_n3A_702 : vector<1024x128xi1>, vector<1024x128xi32>
    %slice3A_716 = vector.extract_strided_slice %dot_general3A_624 {offsets = [0, 896], sizes = [1024, 128], strides = [1, 1]} : vector<1024x1152xf32> to vector<1024x128xf32>
    %gt3A_717 = arith.cmpf ogt, %slice3A_716, %select_n3A_712 : vector<1024x128xf32>
    %gt3A_718 = arith.cmpf ogt, %slice3A_716, %select_n3A_707 : vector<1024x128xf32>
    %select_n3A_719 = arith.select %gt3A_718, %slice3A_716, %select_n3A_707 : vector<1024x128xi1>, vector<1024x128xf32>
    %select_n3A_720 = arith.select %gt3A_717, %select_n3A_712, %select_n3A_719 : vector<1024x128xi1>, vector<1024x128xf32>
    %jit3A_721 = arith.constant 52 : i32
    %broadcast_in_dim3A_722 = vector.broadcast %jit3A_721 : i32 to vector<1024x128xi32>
    %select_n3A_723 = arith.select %gt3A_718, %broadcast_in_dim3A_722, %select_n3A_711 : vector<1024x128xi1>, vector<1024x128xi32>
    %select_n3A_724 = arith.select %gt3A_717, %select_n3A_715, %select_n3A_723 : vector<1024x128xi1>, vector<1024x128xi32>
    %select_n3A_725 = arith.select %gt3A_717, %slice3A_716, %select_n3A_712 : vector<1024x128xi1>, vector<1024x128xf32>
    %jit3A_726 = arith.constant 52 : i32
    %broadcast_in_dim3A_727 = vector.broadcast %jit3A_726 : i32 to vector<1024x128xi32>
    %select_n3A_728 = arith.select %gt3A_717, %broadcast_in_dim3A_727, %select_n3A_715 : vector<1024x128xi1>, vector<1024x128xi32>
    %slice3A_729 = vector.extract_strided_slice %dot_general3A_624 {offsets = [0, 1024], sizes = [1024, 128], strides = [1, 1]} : vector<1024x1152xf32> to vector<1024x128xf32>
    %ge3A = arith.constant 106 : i32
    %ge3A_730 = vector.broadcast %ge3A : i32 to vector<1024x128xi32>
    %ge3A_731 = arith.cmpi sge, %iota3A, %ge3A_730 : vector<1024x128xi32>
    %jit3A_732 = arith.constant -3.000000e+38 : f32
    %broadcast_in_dim3A_733 = vector.broadcast %jit3A_732 : f32 to vector<1024x128xf32>
    %select_n3A_734 = arith.select %ge3A_731, %broadcast_in_dim3A_733, %slice3A_729 : vector<1024x128xi1>, vector<1024x128xf32>
    %gt3A_735 = arith.cmpf ogt, %select_n3A_734, %select_n3A_725 : vector<1024x128xf32>
    %gt3A_736 = arith.cmpf ogt, %select_n3A_734, %select_n3A_720 : vector<1024x128xf32>
    %select_n3A_737 = arith.select %gt3A_736, %select_n3A_734, %select_n3A_720 : vector<1024x128xi1>, vector<1024x128xf32>
    %select_n3A_738 = arith.select %gt3A_735, %select_n3A_725, %select_n3A_737 : vector<1024x128xi1>, vector<1024x128xf32>
    %jit3A_739 = arith.constant 53 : i32
    %broadcast_in_dim3A_740 = vector.broadcast %jit3A_739 : i32 to vector<1024x128xi32>
    %select_n3A_741 = arith.select %gt3A_736, %broadcast_in_dim3A_740, %select_n3A_724 : vector<1024x128xi1>, vector<1024x128xi32>
    %select_n3A_742 = arith.select %gt3A_735, %select_n3A_728, %select_n3A_741 : vector<1024x128xi1>, vector<1024x128xi32>
    %select_n3A_743 = arith.select %gt3A_735, %select_n3A_734, %select_n3A_725 : vector<1024x128xi1>, vector<1024x128xf32>
    %jit3A_744 = arith.constant 53 : i32
    %broadcast_in_dim3A_745 = vector.broadcast %jit3A_744 : i32 to vector<1024x128xi32>
    %select_n3A_746 = arith.select %gt3A_735, %broadcast_in_dim3A_745, %select_n3A_728 : vector<1024x128xi1>, vector<1024x128xi32>
    %reduce_max3A = arith.constant dense<0xFF800000> : vector<1024xf32>
    %reduce_max3A_747 = vector.multi_reduction <maximumf>, %select_n3A_743, %reduce_max3A [1] : vector<1024x128xf32> to vector<1024xf32>
    %broadcast_in_dim3A_748 = vector.shape_cast %reduce_max3A_747 : vector<1024xf32> to vector<1024x1xf32>
    %eq3A = vector.broadcast %broadcast_in_dim3A_748 : vector<1024x1xf32> to vector<1024x128xf32>
    %eq3A_749 = arith.cmpf oeq, %select_n3A_743, %eq3A : vector<1024x128xf32>
    %jit3A_750 = arith.constant 128 : i32
    %broadcast_in_dim3A_751 = vector.broadcast %jit3A_750 : i32 to vector<1024x128xi32>
    %select_n3A_752 = arith.select %eq3A_749, %iota3A, %broadcast_in_dim3A_751 : vector<1024x128xi1>, vector<1024x128xi32>
    %reduce_min3A = arith.constant dense<2147483647> : vector<1024xi32>
    %reduce_min3A_753 = vector.multi_reduction <minsi>, %select_n3A_752, %reduce_min3A [1] : vector<1024x128xi32> to vector<1024xi32>
    %broadcast_in_dim3A_754 = vector.shape_cast %reduce_min3A_753 : vector<1024xi32> to vector<1024x1xi32>
    %eq3A_755 = vector.broadcast %broadcast_in_dim3A_754 : vector<1024x1xi32> to vector<1024x128xi32>
    %eq3A_756 = arith.cmpi eq, %iota3A, %eq3A_755 : vector<1024x128xi32>
    %jit3A_757 = arith.constant -3.000000e+38 : f32
    %broadcast_in_dim3A_758 = vector.broadcast %jit3A_757 : f32 to vector<1024x128xf32>
    %select_n3A_759 = arith.select %eq3A_756, %broadcast_in_dim3A_758, %select_n3A_743 : vector<1024x128xi1>, vector<1024x128xf32>
    %reduce_max3A_760 = arith.constant dense<0xFF800000> : vector<1024xf32>
    %reduce_max3A_761 = vector.multi_reduction <maximumf>, %select_n3A_759, %reduce_max3A_760 [1] : vector<1024x128xf32> to vector<1024xf32>
    %broadcast_in_dim3A_762 = vector.shape_cast %reduce_max3A_761 : vector<1024xf32> to vector<1024x1xf32>
    %eq3A_763 = vector.broadcast %broadcast_in_dim3A_762 : vector<1024x1xf32> to vector<1024x128xf32>
    %eq3A_764 = arith.cmpf oeq, %select_n3A_759, %eq3A_763 : vector<1024x128xf32>
    %jit3A_765 = arith.constant 128 : i32
    %broadcast_in_dim3A_766 = vector.broadcast %jit3A_765 : i32 to vector<1024x128xi32>
    %select_n3A_767 = arith.select %eq3A_764, %iota3A, %broadcast_in_dim3A_766 : vector<1024x128xi1>, vector<1024x128xi32>
    %reduce_min3A_768 = arith.constant dense<2147483647> : vector<1024xi32>
    %reduce_min3A_769 = vector.multi_reduction <minsi>, %select_n3A_767, %reduce_min3A_768 [1] : vector<1024x128xi32> to vector<1024xi32>
    %broadcast_in_dim3A_770 = vector.shape_cast %reduce_min3A_769 : vector<1024xi32> to vector<1024x1xi32>
    %eq3A_771 = vector.broadcast %broadcast_in_dim3A_770 : vector<1024x1xi32> to vector<1024x128xi32>
    %eq3A_772 = arith.cmpi eq, %iota3A, %eq3A_771 : vector<1024x128xi32>
    %jit3A_773 = arith.constant 0 : i32
    %convert_element_type3A = arith.sitofp %jit3A_773 : i32 to f32
    %broadcast_in_dim3A_774 = vector.broadcast %convert_element_type3A : f32 to vector<1024x128xf32>
    %select_n3A_775 = arith.select %eq3A_756, %select_n3A_738, %broadcast_in_dim3A_774 : vector<1024x128xi1>, vector<1024x128xf32>
    %reduce_sum3A = arith.constant dense<0.000000e+00> : vector<1024xf32>
    %reduce_sum3A_776 = vector.multi_reduction <add>, %select_n3A_775, %reduce_sum3A [1] : vector<1024x128xf32> to vector<1024xf32>
    %broadcast_in_dim3A_777 = vector.shape_cast %reduce_sum3A_776 : vector<1024xf32> to vector<1024x1xf32>
    %jit3A_778 = arith.constant 0 : i32
    %broadcast_in_dim3A_779 = vector.broadcast %jit3A_778 : i32 to vector<1024x128xi32>
    %select_n3A_780 = arith.select %eq3A_756, %select_n3A_742, %broadcast_in_dim3A_779 : vector<1024x128xi1>, vector<1024x128xi32>
    %reduce_sum3A_781 = arith.constant dense<0> : vector<1024xi32>
    %reduce_sum3A_782 = vector.multi_reduction <add>, %select_n3A_780, %reduce_sum3A_781 [1] : vector<1024x128xi32> to vector<1024xi32>
    %broadcast_in_dim3A_783 = vector.shape_cast %reduce_sum3A_782 : vector<1024xi32> to vector<1024x1xi32>
    %jit3A_784 = arith.constant 0 : i32
    %broadcast_in_dim3A_785 = vector.broadcast %jit3A_784 : i32 to vector<1024x128xi32>
    %select_n3A_786 = arith.select %eq3A_772, %select_n3A_746, %broadcast_in_dim3A_785 : vector<1024x128xi1>, vector<1024x128xi32>
    %reduce_sum3A_787 = arith.constant dense<0> : vector<1024xi32>
    %reduce_sum3A_788 = vector.multi_reduction <add>, %select_n3A_786, %reduce_sum3A_787 [1] : vector<1024x128xi32> to vector<1024xi32>
    %broadcast_in_dim3A_789 = vector.shape_cast %reduce_sum3A_788 : vector<1024xi32> to vector<1024x1xi32>
    %jit3A_790 = arith.constant 0 : i32
    %broadcast_in_dim3A_791 = vector.broadcast %jit3A_790 : i32 to vector<1024x128xi32>
    %select_n3A_792 = arith.select %eq3A_756, %select_n3A_746, %broadcast_in_dim3A_791 : vector<1024x128xi1>, vector<1024x128xi32>
    %reduce_sum3A_793 = arith.constant dense<0> : vector<1024xi32>
    %reduce_sum3A_794 = vector.multi_reduction <add>, %select_n3A_792, %reduce_sum3A_793 [1] : vector<1024x128xi32> to vector<1024xi32>
    %broadcast_in_dim3A_795 = vector.shape_cast %reduce_sum3A_794 : vector<1024xi32> to vector<1024x1xi32>
    %mul3A_796 = arith.constant 128 : i32
    %mul3A_797 = vector.broadcast %mul3A_796 : i32 to vector<1024x1xi32>
    %mul3A_798 = arith.muli %broadcast_in_dim3A_795, %mul3A_797 : vector<1024x1xi32>
    %add3A_799 = arith.addi %mul3A_798, %broadcast_in_dim3A_754 : vector<1024x1xi32>
    %ge3A_800 = arith.cmpf oge, %broadcast_in_dim3A_777, %broadcast_in_dim3A_762 : vector<1024x1xf32>
    %mul3A_801 = arith.constant 128 : i32
    %mul3A_802 = vector.broadcast %mul3A_801 : i32 to vector<1024x1xi32>
    %mul3A_803 = arith.muli %broadcast_in_dim3A_783, %mul3A_802 : vector<1024x1xi32>
    %add3A_804 = arith.addi %mul3A_803, %broadcast_in_dim3A_754 : vector<1024x1xi32>
    %mul3A_805 = arith.constant 128 : i32
    %mul3A_806 = vector.broadcast %mul3A_805 : i32 to vector<1024x1xi32>
    %mul3A_807 = arith.muli %broadcast_in_dim3A_789, %mul3A_806 : vector<1024x1xi32>
    %add3A_808 = arith.addi %mul3A_807, %broadcast_in_dim3A_770 : vector<1024x1xi32>
    %select_n3A_809 = arith.select %ge3A_800, %add3A_804, %add3A_808 : vector<1024x1xi1>, vector<1024x1xi32>
    %squeeze3A = vector.shape_cast %add3A_799 : vector<1024x1xi32> to vector<1024xi32>
    %swap3A = arith.constant 0 : index
    %swap3A_810 = vector.load %arg6[%swap3A] : memref<1024xi32, #tpu.memory_space<vmem>>, vector<1024xi32>
    tpu.vector_store %arg6[%swap3A], %squeeze3A {strides = array<i32>} : memref<1024xi32, #tpu.memory_space<vmem>>, vector<1024xi32>,
    %squeeze3A_811 = vector.shape_cast %select_n3A_809 : vector<1024x1xi32> to vector<1024xi32>
    %swap3A_812 = arith.constant 0 : index
    %swap3A_813 = vector.load %arg7[%swap3A_812] : memref<1024xi32, #tpu.memory_space<vmem>>, vector<1024xi32>
    tpu.vector_store %arg7[%swap3A_812], %squeeze3A_811 {strides = array<i32>} : memref<1024xi32, #tpu.memory_space<vmem>>, vector<1024xi32>,
    %eq3A_814 = arith.constant 0 : i32
    %eq3A_815 = arith.cmpi eq, %arg0, %eq3A_814 : i32
    %convert_element_type3A_816 = arith.extui %eq3A_815 : i1 to i32
    %cond3A = arith.constant 0 : i32
    %cond3A_817 = arith.cmpi ne, %convert_element_type3A_816, %cond3A : i32
    scf.if %cond3A_817 {
      %get3A_818 = arith.constant 0 : index
      %get3A_819 = arith.constant 0 : index
      %get3A_820 = vector.load %arg3[%get3A_818, %get3A_819] : memref<6890x24xf32, #tpu.memory_space<vmem>>, vector<6890x24xf32>
      %get3A_821 = arith.constant 0 : index
      %get3A_822 = arith.constant 0 : index
      %get3A_823 = vector.load %arg4[%get3A_821, %get3A_822] : memref<24x16xf32, #tpu.memory_space<vmem>>, vector<24x16xf32>
      %dot_general3A_824 = arith.constant dense<0.000000e+00> : vector<6890x16xf32>
      %dot_general3A_825 = tpu.matmul %get3A_820, %get3A_823, %dot_general3A_824 {dimension_numbers = #tpu.dot_dimension_numbers<[1], [0], [0], [1], [0, 0, 1, 1], [], []>, precision = #tpu.contract_precision<fp32>, transpose_lhs_hint = false} : vector<6890x24xf32>, vector<24x16xf32>, vector<6890x16xf32> -> vector<6890x16xf32>
      %iota3A_826 = tpu.iota {dimensions = array<i32: 0>} : vector<6890x1xi32>
      %get3A_827 = arith.constant 0 : index
      %get3A_828 = arith.constant 0 : index
      %get3A_829 = vector.load %arg5[%get3A_827, %get3A_828] : memref<6890x3xf32, #tpu.memory_space<vmem>>, vector<6890x3xf32>
      %convert_element_type3A_830 = arith.sitofp %iota3A_826 : vector<6890x1xi32> to vector<6890x1xf32>
      %broadcast_in_dim3A_831 = arith.constant 0.000000e+00 : f32
      %broadcast_in_dim3A_832 = vector.broadcast %broadcast_in_dim3A_831 : f32 to vector<6890x12xf32>
      %concatenate3A_833 = tpu.concatenate %dot_general3A_825, %get3A_829, %convert_element_type3A_830, %broadcast_in_dim3A_832 in 1 : vector<6890x16xf32>, vector<6890x3xf32>, vector<6890x1xf32>, vector<6890x12xf32> -> vector<6890x32xf32>
      %swap3A_834 = arith.constant 0 : index
      %swap3A_835 = arith.constant 0 : index
      %swap3A_836 = vector.load %arg8[%swap3A_834, %swap3A_835] : memref<6890x32xf32, #tpu.memory_space<vmem>>, vector<6890x32xf32>
      tpu.vector_store %arg8[%swap3A_834, %swap3A_835], %concatenate3A_833 {strides = array<i32>} : memref<6890x32xf32, #tpu.memory_space<vmem>>, vector<6890x32xf32>,
    } else {
    }
    return
  }
  func.func @transform_0(%arg0: i32) -> (i32, i32) {
    %c0_i32 = arith.constant 0 : i32
    %c0_i32_0 = arith.constant 0 : i32
    return %arg0, %c0_i32 : i32, i32
  }
  func.func @transform_1(%arg0: i32) -> (i32, i32) {
    %c0_i32 = arith.constant 0 : i32
    %c0_i32_0 = arith.constant 0 : i32
    %c0_i32_1 = arith.constant 0 : i32
    return %c0_i32, %c0_i32_0 : i32, i32
  }
  func.func @transform_2(%arg0: i32) -> (i32, i32) {
    %c0_i32 = arith.constant 0 : i32
    %c0_i32_0 = arith.constant 0 : i32
    %c0_i32_1 = arith.constant 0 : i32
    return %c0_i32, %c0_i32_0 : i32, i32
  }
  func.func @transform_3(%arg0: i32) -> (i32, i32) {
    %c0_i32 = arith.constant 0 : i32
    %c0_i32_0 = arith.constant 0 : i32
    %c0_i32_1 = arith.constant 0 : i32
    return %c0_i32, %c0_i32_0 : i32, i32
  }
  func.func @transform_4(%arg0: i32) -> (i32, i32) {
    %c0_i32 = arith.constant 0 : i32
    %c0_i32_0 = arith.constant 0 : i32
    %c0_i32_1 = arith.constant 0 : i32
    return %c0_i32, %c0_i32_0 : i32, i32
  }
  func.func @transform_5(%arg0: i32) -> i32 {
    %c0_i32 = arith.constant 0 : i32
    return %arg0 : i32
  }
  func.func @transform_6(%arg0: i32) -> i32 {
    %c0_i32 = arith.constant 0 : i32
    return %arg0 : i32
  }
  func.func @transform_7(%arg0: i32) -> (i32, i32) {
    %c0_i32 = arith.constant 0 : i32
    %c0_i32_0 = arith.constant 0 : i32
    %c0_i32_1 = arith.constant 0 : i32
    return %c0_i32, %c0_i32_0 : i32, i32
  }
}

module attributes {stable_mosaic.version = 14 : i64} {
  func.func @_finish_kernel(%arg0: i32, %arg1: memref<3x6400xf32, #tpu.memory_space<vmem>>, %arg2: memref<4x6400xf32, #tpu.memory_space<vmem>>, %arg3: memref<32x6400xf32, #tpu.memory_space<vmem>>, %arg4: memref<32x6400xf32, #tpu.memory_space<vmem>>, %arg5: memref<3x6400xf32, #tpu.memory_space<vmem>>, %arg6: memref<9x6400xf32, #tpu.memory_space<vmem>>) attributes {dimension_semantics = [#tpu.dimension_semantics<arbitrary>], iteration_bounds = array<i64: 16>, scalar_prefetch = 0 : i64, scratch_operands = 0 : i64, tpu.core_type = #tpu.core_type<tc>, window_params = [{transform_indices = @transform_0, window_bounds = array<i64: 3, 6400>}, {transform_indices = @transform_1, window_bounds = array<i64: 4, 6400>}, {transform_indices = @transform_2, window_bounds = array<i64: 32, 6400>}, {transform_indices = @transform_3, window_bounds = array<i64: 32, 6400>}, {transform_indices = @transform_4, window_bounds = array<i64: 3, 6400>}, {transform_indices = @transform_5, window_bounds = array<i64: 9, 6400>}]} {
    %get3A = arith.constant 0 : index
    %get3A_0 = arith.constant 0 : index
    %get3A_1 = vector.load %arg1[%get3A, %get3A_0] : memref<3x6400xf32, #tpu.memory_space<vmem>>, vector<1x6400xf32>
    %get3A_2 = arith.constant 1 : index
    %get3A_3 = arith.constant 0 : index
    %get3A_4 = vector.load %arg1[%get3A_2, %get3A_3] : memref<3x6400xf32, #tpu.memory_space<vmem>>, vector<1x6400xf32>
    %get3A_5 = arith.constant 2 : index
    %get3A_6 = arith.constant 0 : index
    %get3A_7 = vector.load %arg1[%get3A_5, %get3A_6] : memref<3x6400xf32, #tpu.memory_space<vmem>>, vector<1x6400xf32>
    %get3A_8 = arith.constant 0 : index
    %get3A_9 = arith.constant 0 : index
    %get3A_10 = vector.load %arg3[%get3A_8, %get3A_9] : memref<32x6400xf32, #tpu.memory_space<vmem>>, vector<32x6400xf32>
    %get3A_11 = arith.constant 0 : index
    %get3A_12 = arith.constant 0 : index
    %get3A_13 = vector.load %arg4[%get3A_11, %get3A_12] : memref<32x6400xf32, #tpu.memory_space<vmem>>, vector<32x6400xf32>
    %slice3A = vector.extract_strided_slice %get3A_10 {offsets = [16, 0], sizes = [1, 6400], strides = [1, 1]} : vector<32x6400xf32> to vector<1x6400xf32>
    %sub3A = arith.subf %get3A_1, %slice3A : vector<1x6400xf32>
    %slice3A_14 = vector.extract_strided_slice %get3A_10 {offsets = [17, 0], sizes = [1, 6400], strides = [1, 1]} : vector<32x6400xf32> to vector<1x6400xf32>
    %sub3A_15 = arith.subf %get3A_4, %slice3A_14 : vector<1x6400xf32>
    %slice3A_16 = vector.extract_strided_slice %get3A_10 {offsets = [18, 0], sizes = [1, 6400], strides = [1, 1]} : vector<32x6400xf32> to vector<1x6400xf32>
    %sub3A_17 = arith.subf %get3A_7, %slice3A_16 : vector<1x6400xf32>
    %mul3A = arith.mulf %sub3A, %sub3A : vector<1x6400xf32>
    %mul3A_18 = arith.mulf %sub3A_15, %sub3A_15 : vector<1x6400xf32>
    %add3A = arith.addf %mul3A, %mul3A_18 : vector<1x6400xf32>
    %mul3A_19 = arith.mulf %sub3A_17, %sub3A_17 : vector<1x6400xf32>
    %add3A_20 = arith.addf %add3A, %mul3A_19 : vector<1x6400xf32>
    %slice3A_21 = vector.extract_strided_slice %get3A_13 {offsets = [16, 0], sizes = [1, 6400], strides = [1, 1]} : vector<32x6400xf32> to vector<1x6400xf32>
    %sub3A_22 = arith.subf %get3A_1, %slice3A_21 : vector<1x6400xf32>
    %slice3A_23 = vector.extract_strided_slice %get3A_13 {offsets = [17, 0], sizes = [1, 6400], strides = [1, 1]} : vector<32x6400xf32> to vector<1x6400xf32>
    %sub3A_24 = arith.subf %get3A_4, %slice3A_23 : vector<1x6400xf32>
    %slice3A_25 = vector.extract_strided_slice %get3A_13 {offsets = [18, 0], sizes = [1, 6400], strides = [1, 1]} : vector<32x6400xf32> to vector<1x6400xf32>
    %sub3A_26 = arith.subf %get3A_7, %slice3A_25 : vector<1x6400xf32>
    %mul3A_27 = arith.mulf %sub3A_22, %sub3A_22 : vector<1x6400xf32>
    %mul3A_28 = arith.mulf %sub3A_24, %sub3A_24 : vector<1x6400xf32>
    %add3A_29 = arith.addf %mul3A_27, %mul3A_28 : vector<1x6400xf32>
    %mul3A_30 = arith.mulf %sub3A_26, %sub3A_26 : vector<1x6400xf32>
    %add3A_31 = arith.addf %add3A_29, %mul3A_30 : vector<1x6400xf32>
    %slice3A_32 = vector.extract_strided_slice %get3A_10 {offsets = [19, 0], sizes = [1, 6400], strides = [1, 1]} : vector<32x6400xf32> to vector<1x6400xf32>
    %slice3A_33 = vector.extract_strided_slice %get3A_13 {offsets = [19, 0], sizes = [1, 6400], strides = [1, 1]} : vector<32x6400xf32> to vector<1x6400xf32>
    %lt3A = arith.cmpf olt, %add3A_20, %add3A_31 : vector<1x6400xf32>
    %eq3A = arith.cmpf oeq, %add3A_20, %add3A_31 : vector<1x6400xf32>
    %le3A = arith.cmpf ole, %slice3A_32, %slice3A_33 : vector<1x6400xf32>
    %and3A = arith.andi %eq3A, %le3A : vector<1x6400xi1>
    %or3A = arith.ori %lt3A, %and3A : vector<1x6400xi1>
    %slice3A_34 = vector.extract_strided_slice %get3A_10 {offsets = [0, 0], sizes = [1, 6400], strides = [1, 1]} : vector<32x6400xf32> to vector<1x6400xf32>
    %slice3A_35 = vector.extract_strided_slice %get3A_13 {offsets = [0, 0], sizes = [1, 6400], strides = [1, 1]} : vector<32x6400xf32> to vector<1x6400xf32>
    %select_n3A = arith.select %or3A, %slice3A_34, %slice3A_35 : vector<1x6400xi1>, vector<1x6400xf32>
    %slice3A_36 = vector.extract_strided_slice %get3A_10 {offsets = [1, 0], sizes = [1, 6400], strides = [1, 1]} : vector<32x6400xf32> to vector<1x6400xf32>
    %slice3A_37 = vector.extract_strided_slice %get3A_13 {offsets = [1, 0], sizes = [1, 6400], strides = [1, 1]} : vector<32x6400xf32> to vector<1x6400xf32>
    %select_n3A_38 = arith.select %or3A, %slice3A_36, %slice3A_37 : vector<1x6400xi1>, vector<1x6400xf32>
    %slice3A_39 = vector.extract_strided_slice %get3A_10 {offsets = [2, 0], sizes = [1, 6400], strides = [1, 1]} : vector<32x6400xf32> to vector<1x6400xf32>
    %slice3A_40 = vector.extract_strided_slice %get3A_13 {offsets = [2, 0], sizes = [1, 6400], strides = [1, 1]} : vector<32x6400xf32> to vector<1x6400xf32>
    %select_n3A_41 = arith.select %or3A, %slice3A_39, %slice3A_40 : vector<1x6400xi1>, vector<1x6400xf32>
    %slice3A_42 = vector.extract_strided_slice %get3A_10 {offsets = [3, 0], sizes = [1, 6400], strides = [1, 1]} : vector<32x6400xf32> to vector<1x6400xf32>
    %slice3A_43 = vector.extract_strided_slice %get3A_13 {offsets = [3, 0], sizes = [1, 6400], strides = [1, 1]} : vector<32x6400xf32> to vector<1x6400xf32>
    %select_n3A_44 = arith.select %or3A, %slice3A_42, %slice3A_43 : vector<1x6400xi1>, vector<1x6400xf32>
    %slice3A_45 = vector.extract_strided_slice %get3A_10 {offsets = [4, 0], sizes = [1, 6400], strides = [1, 1]} : vector<32x6400xf32> to vector<1x6400xf32>
    %slice3A_46 = vector.extract_strided_slice %get3A_13 {offsets = [4, 0], sizes = [1, 6400], strides = [1, 1]} : vector<32x6400xf32> to vector<1x6400xf32>
    %select_n3A_47 = arith.select %or3A, %slice3A_45, %slice3A_46 : vector<1x6400xi1>, vector<1x6400xf32>
    %slice3A_48 = vector.extract_strided_slice %get3A_10 {offsets = [5, 0], sizes = [1, 6400], strides = [1, 1]} : vector<32x6400xf32> to vector<1x6400xf32>
    %slice3A_49 = vector.extract_strided_slice %get3A_13 {offsets = [5, 0], sizes = [1, 6400], strides = [1, 1]} : vector<32x6400xf32> to vector<1x6400xf32>
    %select_n3A_50 = arith.select %or3A, %slice3A_48, %slice3A_49 : vector<1x6400xi1>, vector<1x6400xf32>
    %slice3A_51 = vector.extract_strided_slice %get3A_10 {offsets = [6, 0], sizes = [1, 6400], strides = [1, 1]} : vector<32x6400xf32> to vector<1x6400xf32>
    %slice3A_52 = vector.extract_strided_slice %get3A_13 {offsets = [6, 0], sizes = [1, 6400], strides = [1, 1]} : vector<32x6400xf32> to vector<1x6400xf32>
    %select_n3A_53 = arith.select %or3A, %slice3A_51, %slice3A_52 : vector<1x6400xi1>, vector<1x6400xf32>
    %slice3A_54 = vector.extract_strided_slice %get3A_10 {offsets = [7, 0], sizes = [1, 6400], strides = [1, 1]} : vector<32x6400xf32> to vector<1x6400xf32>
    %slice3A_55 = vector.extract_strided_slice %get3A_13 {offsets = [7, 0], sizes = [1, 6400], strides = [1, 1]} : vector<32x6400xf32> to vector<1x6400xf32>
    %select_n3A_56 = arith.select %or3A, %slice3A_54, %slice3A_55 : vector<1x6400xi1>, vector<1x6400xf32>
    %slice3A_57 = vector.extract_strided_slice %get3A_10 {offsets = [8, 0], sizes = [1, 6400], strides = [1, 1]} : vector<32x6400xf32> to vector<1x6400xf32>
    %slice3A_58 = vector.extract_strided_slice %get3A_13 {offsets = [8, 0], sizes = [1, 6400], strides = [1, 1]} : vector<32x6400xf32> to vector<1x6400xf32>
    %select_n3A_59 = arith.select %or3A, %slice3A_57, %slice3A_58 : vector<1x6400xi1>, vector<1x6400xf32>
    %slice3A_60 = vector.extract_strided_slice %get3A_10 {offsets = [9, 0], sizes = [1, 6400], strides = [1, 1]} : vector<32x6400xf32> to vector<1x6400xf32>
    %slice3A_61 = vector.extract_strided_slice %get3A_13 {offsets = [9, 0], sizes = [1, 6400], strides = [1, 1]} : vector<32x6400xf32> to vector<1x6400xf32>
    %select_n3A_62 = arith.select %or3A, %slice3A_60, %slice3A_61 : vector<1x6400xi1>, vector<1x6400xf32>
    %slice3A_63 = vector.extract_strided_slice %get3A_10 {offsets = [10, 0], sizes = [1, 6400], strides = [1, 1]} : vector<32x6400xf32> to vector<1x6400xf32>
    %slice3A_64 = vector.extract_strided_slice %get3A_13 {offsets = [10, 0], sizes = [1, 6400], strides = [1, 1]} : vector<32x6400xf32> to vector<1x6400xf32>
    %select_n3A_65 = arith.select %or3A, %slice3A_63, %slice3A_64 : vector<1x6400xi1>, vector<1x6400xf32>
    %slice3A_66 = vector.extract_strided_slice %get3A_10 {offsets = [11, 0], sizes = [1, 6400], strides = [1, 1]} : vector<32x6400xf32> to vector<1x6400xf32>
    %slice3A_67 = vector.extract_strided_slice %get3A_13 {offsets = [11, 0], sizes = [1, 6400], strides = [1, 1]} : vector<32x6400xf32> to vector<1x6400xf32>
    %select_n3A_68 = arith.select %or3A, %slice3A_66, %slice3A_67 : vector<1x6400xi1>, vector<1x6400xf32>
    %mul3A_69 = arith.mulf %select_n3A, %get3A_1 : vector<1x6400xf32>
    %mul3A_70 = arith.mulf %select_n3A_38, %get3A_4 : vector<1x6400xf32>
    %add3A_71 = arith.addf %mul3A_69, %mul3A_70 : vector<1x6400xf32>
    %mul3A_72 = arith.mulf %select_n3A_41, %get3A_7 : vector<1x6400xf32>
    %add3A_73 = arith.addf %add3A_71, %mul3A_72 : vector<1x6400xf32>
    %add3A_74 = arith.addf %add3A_73, %select_n3A_44 : vector<1x6400xf32>
    %mul3A_75 = arith.mulf %select_n3A_47, %get3A_1 : vector<1x6400xf32>
    %mul3A_76 = arith.mulf %select_n3A_50, %get3A_4 : vector<1x6400xf32>
    %add3A_77 = arith.addf %mul3A_75, %mul3A_76 : vector<1x6400xf32>
    %mul3A_78 = arith.mulf %select_n3A_53, %get3A_7 : vector<1x6400xf32>
    %add3A_79 = arith.addf %add3A_77, %mul3A_78 : vector<1x6400xf32>
    %add3A_80 = arith.addf %add3A_79, %select_n3A_56 : vector<1x6400xf32>
    %mul3A_81 = arith.mulf %select_n3A_59, %get3A_1 : vector<1x6400xf32>
    %mul3A_82 = arith.mulf %select_n3A_62, %get3A_4 : vector<1x6400xf32>
    %add3A_83 = arith.addf %mul3A_81, %mul3A_82 : vector<1x6400xf32>
    %mul3A_84 = arith.mulf %select_n3A_65, %get3A_7 : vector<1x6400xf32>
    %add3A_85 = arith.addf %add3A_83, %mul3A_84 : vector<1x6400xf32>
    %add3A_86 = arith.addf %add3A_85, %select_n3A_68 : vector<1x6400xf32>
    %concatenate3A = tpu.concatenate %add3A_74, %add3A_80, %add3A_86 in 0 : vector<1x6400xf32>, vector<1x6400xf32>, vector<1x6400xf32> -> vector<3x6400xf32>
    %swap3A = arith.constant 0 : index
    %swap3A_87 = arith.constant 0 : index
    %swap3A_88 = vector.load %arg5[%swap3A, %swap3A_87] : memref<3x6400xf32, #tpu.memory_space<vmem>>, vector<3x6400xf32>
    tpu.vector_store %arg5[%swap3A, %swap3A_87], %concatenate3A {strides = array<i32>} : memref<3x6400xf32, #tpu.memory_space<vmem>>, vector<3x6400xf32>,
    %get3A_89 = arith.constant 0 : index
    %get3A_90 = arith.constant 0 : index
    %get3A_91 = vector.load %arg2[%get3A_89, %get3A_90] : memref<4x6400xf32, #tpu.memory_space<vmem>>, vector<1x6400xf32>
    %get3A_92 = arith.constant 1 : index
    %get3A_93 = arith.constant 0 : index
    %get3A_94 = vector.load %arg2[%get3A_92, %get3A_93] : memref<4x6400xf32, #tpu.memory_space<vmem>>, vector<1x6400xf32>
    %get3A_95 = arith.constant 2 : index
    %get3A_96 = arith.constant 0 : index
    %get3A_97 = vector.load %arg2[%get3A_95, %get3A_96] : memref<4x6400xf32, #tpu.memory_space<vmem>>, vector<1x6400xf32>
    %get3A_98 = arith.constant 3 : index
    %get3A_99 = arith.constant 0 : index
    %get3A_100 = vector.load %arg2[%get3A_98, %get3A_99] : memref<4x6400xf32, #tpu.memory_space<vmem>>, vector<1x6400xf32>
    %mul3A_101 = arith.mulf %get3A_91, %get3A_91 : vector<1x6400xf32>
    %mul3A_102 = arith.mulf %get3A_94, %get3A_94 : vector<1x6400xf32>
    %add3A_103 = arith.addf %mul3A_101, %mul3A_102 : vector<1x6400xf32>
    %mul3A_104 = arith.mulf %get3A_97, %get3A_97 : vector<1x6400xf32>
    %add3A_105 = arith.addf %add3A_103, %mul3A_104 : vector<1x6400xf32>
    %mul3A_106 = arith.mulf %get3A_100, %get3A_100 : vector<1x6400xf32>
    %add3A_107 = arith.addf %add3A_105, %mul3A_106 : vector<1x6400xf32>
    %sqrt3A = math.sqrt %add3A_107 : vector<1x6400xf32>
    %div3A = arith.divf %get3A_91, %sqrt3A : vector<1x6400xf32>
    %div3A_108 = arith.divf %get3A_94, %sqrt3A : vector<1x6400xf32>
    %div3A_109 = arith.divf %get3A_97, %sqrt3A : vector<1x6400xf32>
    %div3A_110 = arith.divf %get3A_100, %sqrt3A : vector<1x6400xf32>
    %mul3A_111 = arith.mulf %div3A_109, %div3A_109 : vector<1x6400xf32>
    %mul3A_112 = arith.mulf %div3A_110, %div3A_110 : vector<1x6400xf32>
    %add3A_113 = arith.addf %mul3A_111, %mul3A_112 : vector<1x6400xf32>
    %mul3A_114 = arith.constant 2.000000e+00 : f32
    %mul3A_115 = vector.broadcast %mul3A_114 : f32 to vector<1x6400xf32>
    %mul3A_116 = arith.mulf %mul3A_115, %add3A_113 : vector<1x6400xf32>
    %sub3A_117 = arith.constant 1.000000e+00 : f32
    %sub3A_118 = vector.broadcast %sub3A_117 : f32 to vector<1x6400xf32>
    %sub3A_119 = arith.subf %sub3A_118, %mul3A_116 : vector<1x6400xf32>
    %mul3A_120 = arith.mulf %div3A_108, %div3A_109 : vector<1x6400xf32>
    %mul3A_121 = arith.mulf %div3A, %div3A_110 : vector<1x6400xf32>
    %sub3A_122 = arith.subf %mul3A_120, %mul3A_121 : vector<1x6400xf32>
    %mul3A_123 = arith.constant 2.000000e+00 : f32
    %mul3A_124 = vector.broadcast %mul3A_123 : f32 to vector<1x6400xf32>
    %mul3A_125 = arith.mulf %mul3A_124, %sub3A_122 : vector<1x6400xf32>
    %mul3A_126 = arith.mulf %div3A_108, %div3A_110 : vector<1x6400xf32>
    %mul3A_127 = arith.mulf %div3A, %div3A_109 : vector<1x6400xf32>
    %add3A_128 = arith.addf %mul3A_126, %mul3A_127 : vector<1x6400xf32>
    %mul3A_129 = arith.constant 2.000000e+00 : f32
    %mul3A_130 = vector.broadcast %mul3A_129 : f32 to vector<1x6400xf32>
    %mul3A_131 = arith.mulf %mul3A_130, %add3A_128 : vector<1x6400xf32>
    %mul3A_132 = arith.mulf %div3A_108, %div3A_109 : vector<1x6400xf32>
    %mul3A_133 = arith.mulf %div3A, %div3A_110 : vector<1x6400xf32>
    %add3A_134 = arith.addf %mul3A_132, %mul3A_133 : vector<1x6400xf32>
    %mul3A_135 = arith.constant 2.000000e+00 : f32
    %mul3A_136 = vector.broadcast %mul3A_135 : f32 to vector<1x6400xf32>
    %mul3A_137 = arith.mulf %mul3A_136, %add3A_134 : vector<1x6400xf32>
    %mul3A_138 = arith.mulf %div3A_108, %div3A_108 : vector<1x6400xf32>
    %mul3A_139 = arith.mulf %div3A_110, %div3A_110 : vector<1x6400xf32>
    %add3A_140 = arith.addf %mul3A_138, %mul3A_139 : vector<1x6400xf32>
    %mul3A_141 = arith.constant 2.000000e+00 : f32
    %mul3A_142 = vector.broadcast %mul3A_141 : f32 to vector<1x6400xf32>
    %mul3A_143 = arith.mulf %mul3A_142, %add3A_140 : vector<1x6400xf32>
    %sub3A_144 = arith.constant 1.000000e+00 : f32
    %sub3A_145 = vector.broadcast %sub3A_144 : f32 to vector<1x6400xf32>
    %sub3A_146 = arith.subf %sub3A_145, %mul3A_143 : vector<1x6400xf32>
    %mul3A_147 = arith.mulf %div3A_109, %div3A_110 : vector<1x6400xf32>
    %mul3A_148 = arith.mulf %div3A, %div3A_108 : vector<1x6400xf32>
    %sub3A_149 = arith.subf %mul3A_147, %mul3A_148 : vector<1x6400xf32>
    %mul3A_150 = arith.constant 2.000000e+00 : f32
    %mul3A_151 = vector.broadcast %mul3A_150 : f32 to vector<1x6400xf32>
    %mul3A_152 = arith.mulf %mul3A_151, %sub3A_149 : vector<1x6400xf32>
    %mul3A_153 = arith.mulf %div3A_108, %div3A_110 : vector<1x6400xf32>
    %mul3A_154 = arith.mulf %div3A, %div3A_109 : vector<1x6400xf32>
    %sub3A_155 = arith.subf %mul3A_153, %mul3A_154 : vector<1x6400xf32>
    %mul3A_156 = arith.constant 2.000000e+00 : f32
    %mul3A_157 = vector.broadcast %mul3A_156 : f32 to vector<1x6400xf32>
    %mul3A_158 = arith.mulf %mul3A_157, %sub3A_155 : vector<1x6400xf32>
    %mul3A_159 = arith.mulf %div3A_109, %div3A_110 : vector<1x6400xf32>
    %mul3A_160 = arith.mulf %div3A, %div3A_108 : vector<1x6400xf32>
    %add3A_161 = arith.addf %mul3A_159, %mul3A_160 : vector<1x6400xf32>
    %mul3A_162 = arith.constant 2.000000e+00 : f32
    %mul3A_163 = vector.broadcast %mul3A_162 : f32 to vector<1x6400xf32>
    %mul3A_164 = arith.mulf %mul3A_163, %add3A_161 : vector<1x6400xf32>
    %mul3A_165 = arith.mulf %div3A_108, %div3A_108 : vector<1x6400xf32>
    %mul3A_166 = arith.mulf %div3A_109, %div3A_109 : vector<1x6400xf32>
    %add3A_167 = arith.addf %mul3A_165, %mul3A_166 : vector<1x6400xf32>
    %mul3A_168 = arith.constant 2.000000e+00 : f32
    %mul3A_169 = vector.broadcast %mul3A_168 : f32 to vector<1x6400xf32>
    %mul3A_170 = arith.mulf %mul3A_169, %add3A_167 : vector<1x6400xf32>
    %sub3A_171 = arith.constant 1.000000e+00 : f32
    %sub3A_172 = vector.broadcast %sub3A_171 : f32 to vector<1x6400xf32>
    %sub3A_173 = arith.subf %sub3A_172, %mul3A_170 : vector<1x6400xf32>
    %mul3A_174 = arith.mulf %select_n3A, %sub3A_119 : vector<1x6400xf32>
    %mul3A_175 = arith.mulf %select_n3A_38, %mul3A_137 : vector<1x6400xf32>
    %add3A_176 = arith.addf %mul3A_174, %mul3A_175 : vector<1x6400xf32>
    %mul3A_177 = arith.mulf %select_n3A_41, %mul3A_158 : vector<1x6400xf32>
    %add3A_178 = arith.addf %add3A_176, %mul3A_177 : vector<1x6400xf32>
    %mul3A_179 = arith.mulf %select_n3A, %mul3A_125 : vector<1x6400xf32>
    %mul3A_180 = arith.mulf %select_n3A_38, %sub3A_146 : vector<1x6400xf32>
    %add3A_181 = arith.addf %mul3A_179, %mul3A_180 : vector<1x6400xf32>
    %mul3A_182 = arith.mulf %select_n3A_41, %mul3A_164 : vector<1x6400xf32>
    %add3A_183 = arith.addf %add3A_181, %mul3A_182 : vector<1x6400xf32>
    %mul3A_184 = arith.mulf %select_n3A, %mul3A_131 : vector<1x6400xf32>
    %mul3A_185 = arith.mulf %select_n3A_38, %mul3A_152 : vector<1x6400xf32>
    %add3A_186 = arith.addf %mul3A_184, %mul3A_185 : vector<1x6400xf32>
    %mul3A_187 = arith.mulf %select_n3A_41, %sub3A_173 : vector<1x6400xf32>
    %add3A_188 = arith.addf %add3A_186, %mul3A_187 : vector<1x6400xf32>
    %mul3A_189 = arith.mulf %select_n3A_47, %sub3A_119 : vector<1x6400xf32>
    %mul3A_190 = arith.mulf %select_n3A_50, %mul3A_137 : vector<1x6400xf32>
    %add3A_191 = arith.addf %mul3A_189, %mul3A_190 : vector<1x6400xf32>
    %mul3A_192 = arith.mulf %select_n3A_53, %mul3A_158 : vector<1x6400xf32>
    %add3A_193 = arith.addf %add3A_191, %mul3A_192 : vector<1x6400xf32>
    %mul3A_194 = arith.mulf %select_n3A_47, %mul3A_125 : vector<1x6400xf32>
    %mul3A_195 = arith.mulf %select_n3A_50, %sub3A_146 : vector<1x6400xf32>
    %add3A_196 = arith.addf %mul3A_194, %mul3A_195 : vector<1x6400xf32>
    %mul3A_197 = arith.mulf %select_n3A_53, %mul3A_164 : vector<1x6400xf32>
    %add3A_198 = arith.addf %add3A_196, %mul3A_197 : vector<1x6400xf32>
    %mul3A_199 = arith.mulf %select_n3A_47, %mul3A_131 : vector<1x6400xf32>
    %mul3A_200 = arith.mulf %select_n3A_50, %mul3A_152 : vector<1x6400xf32>
    %add3A_201 = arith.addf %mul3A_199, %mul3A_200 : vector<1x6400xf32>
    %mul3A_202 = arith.mulf %select_n3A_53, %sub3A_173 : vector<1x6400xf32>
    %add3A_203 = arith.addf %add3A_201, %mul3A_202 : vector<1x6400xf32>
    %mul3A_204 = arith.mulf %select_n3A_59, %sub3A_119 : vector<1x6400xf32>
    %mul3A_205 = arith.mulf %select_n3A_62, %mul3A_137 : vector<1x6400xf32>
    %add3A_206 = arith.addf %mul3A_204, %mul3A_205 : vector<1x6400xf32>
    %mul3A_207 = arith.mulf %select_n3A_65, %mul3A_158 : vector<1x6400xf32>
    %add3A_208 = arith.addf %add3A_206, %mul3A_207 : vector<1x6400xf32>
    %mul3A_209 = arith.mulf %select_n3A_59, %mul3A_125 : vector<1x6400xf32>
    %mul3A_210 = arith.mulf %select_n3A_62, %sub3A_146 : vector<1x6400xf32>
    %add3A_211 = arith.addf %mul3A_209, %mul3A_210 : vector<1x6400xf32>
    %mul3A_212 = arith.mulf %select_n3A_65, %mul3A_164 : vector<1x6400xf32>
    %add3A_213 = arith.addf %add3A_211, %mul3A_212 : vector<1x6400xf32>
    %mul3A_214 = arith.mulf %select_n3A_59, %mul3A_131 : vector<1x6400xf32>
    %mul3A_215 = arith.mulf %select_n3A_62, %mul3A_152 : vector<1x6400xf32>
    %add3A_216 = arith.addf %mul3A_214, %mul3A_215 : vector<1x6400xf32>
    %mul3A_217 = arith.mulf %select_n3A_65, %sub3A_173 : vector<1x6400xf32>
    %add3A_218 = arith.addf %add3A_216, %mul3A_217 : vector<1x6400xf32>
    %concatenate3A_219 = tpu.concatenate %add3A_178, %add3A_183, %add3A_188, %add3A_193, %add3A_198, %add3A_203, %add3A_208, %add3A_213, %add3A_218 in 0 : vector<1x6400xf32>, vector<1x6400xf32>, vector<1x6400xf32>, vector<1x6400xf32>, vector<1x6400xf32>, vector<1x6400xf32>, vector<1x6400xf32>, vector<1x6400xf32>, vector<1x6400xf32> -> vector<9x6400xf32>
    %swap3A_220 = arith.constant 0 : index
    %swap3A_221 = arith.constant 0 : index
    %swap3A_222 = vector.load %arg6[%swap3A_220, %swap3A_221] : memref<9x6400xf32, #tpu.memory_space<vmem>>, vector<9x6400xf32>
    tpu.vector_store %arg6[%swap3A_220, %swap3A_221], %concatenate3A_219 {strides = array<i32>} : memref<9x6400xf32, #tpu.memory_space<vmem>>, vector<9x6400xf32>,
    return
  }
  func.func @transform_0(%arg0: i32) -> (i32, i32) {
    %c0_i32 = arith.constant 0 : i32
    %c0_i32_0 = arith.constant 0 : i32
    return %c0_i32, %arg0 : i32, i32
  }
  func.func @transform_1(%arg0: i32) -> (i32, i32) {
    %c0_i32 = arith.constant 0 : i32
    %c0_i32_0 = arith.constant 0 : i32
    return %c0_i32, %arg0 : i32, i32
  }
  func.func @transform_2(%arg0: i32) -> (i32, i32) {
    %c0_i32 = arith.constant 0 : i32
    %c0_i32_0 = arith.constant 0 : i32
    return %c0_i32, %arg0 : i32, i32
  }
  func.func @transform_3(%arg0: i32) -> (i32, i32) {
    %c0_i32 = arith.constant 0 : i32
    %c0_i32_0 = arith.constant 0 : i32
    return %c0_i32, %arg0 : i32, i32
  }
  func.func @transform_4(%arg0: i32) -> (i32, i32) {
    %c0_i32 = arith.constant 0 : i32
    %c0_i32_0 = arith.constant 0 : i32
    return %c0_i32, %arg0 : i32, i32
  }
  func.func @transform_5(%arg0: i32) -> (i32, i32) {
    %c0_i32 = arith.constant 0 : i32
    %c0_i32_0 = arith.constant 0 : i32
    return %c0_i32, %arg0 : i32, i32
  }
}

</mosaic_0001>

<sc_bundles>
// kernel: kernel.5.cloned.1.call-start
scs
__scs_entry_jumppad:
0x0: {  	(pc) =	sbr.rel $0x88, $3  }
0x1: {  	(tag) =	ssettag $0x0;
	lr =	simm.s32 $0x1  }
0x2: {  	[smem:$0x3F9C] =	sst lr;
	_ =	strace $0xD0000000  }
0x3: {  	_ = 	snop  }
0x4: {  	_ = 	snop  }
0x5: {  	_ = 	snop  }
0x6: {  	_ = 	snop  }
0x7: {  	_ = 	snop  }
__scs_overlays_trampoline_lowered:
0x8: {  	[smem:$0x3FAB] =	sst s0  }
0x9: {  	[smem:$0x3FAC] =	sst s1  }
0xa: {  	[smem:$0x3FAD] =	sst s2  }
0xb: {  	[smem:$0x3FAE] =	sst s3  }
0xc: {  	[smem:$0x3FAF] =	sst s4  }
0xd: {  	[smem:$0x3FB0] =	sst s5  }
0xe: {  	[smem:$0x3FB1] =	sst s6  }
0xf: {  	[smem:$0x3FB2] =	sst s7  }
0x10: {  	[smem:$0x3FB3] =	sst s8  }
0x11: {  	[smem:$0x3FB4] =	sst s9;
	s0 =	simm.s32 @!p0 $0x0  }
0x12: {  	s1 =	sld [smem:$0x3F9A];
	s0 =	simm.s32 @p0 $0x1  }
0x13: {  	[smem:$0x3FB5] =	sst s0;
	s0 =	simm.s32 @!p1 $0x0  }
0x14: {  	s2 =	sld [smem:$0x3F99];
	s0 =	simm.s32 @p1 $0x1  }
0x15: {  	[smem:$0x3FB6] =	sst s0;
	s0 =	simm.s32 @!p2 $0x0  }
0x16: {  	s3 =	sld [smem:$0x3FDB];
	s0 =	simm.s32 @p2 $0x1  }
0x17: {  	s4 =	simm.s32 $0x1BF5;
	[smem:$0x3FB8] =	sst s0  }
0x18: {  	s0 =	sld [smem:$0x3F9B];
	_ =	swait.ge [sflag:s4], $0x0  }
0x19: {  	s7 =	sld [smem:$0x3F9C]  }
0x1a: {  	s8 =	sadd.s32 $0xFFFFE003, lr  }
0x1b: {  	s9 =	sadd.s32 $0xFFFFFEF7, lr;
	s5 =	simm.s32 $0xFFFFFFFF;
	p2 =	slt.u32 s8, $0xFFFFF086  }
0x1c: {  	p1 =	slt.u32 s9, $0xF7A;
	s5 =	simm.s32 @!p2 $0x0  }
0x1d: {  	s5 =	simm.s32 @p1 $0x1;
	p0 =	seq.s32 s7, s2  }
0x1e: {  	s7 =	smul.u32 @!p0 $0xF7A, s2;
	p2 =	seq.s32 @!p0 s5, $0x0  }
0x1f: {  	s9 =	smul.u32 $0xF7A, s1;
	s8 =	simm.s32 @!p0 $0x1BF5;
	p2 =	por !p2, p0  }
0x20: {  	[sflag:s8] =	ssyncset.s32 @!p0 $0xFFFFF086;
	s6 =	sadd.s32 @!p0 s3, s7;
	s7 =	simm.s32 @!p0 $0x108  }
0x21: {  	s3 =	sadd.s32 s3, s9;
	s6 =	sadd.s32 @!p0 $0x88, s6;
	s7 =	simm.s32 @p2 $0x1082  }
0x22: {  	[simem:s7], [sflag:s8] =	dma.local @!p0 [hbm:s6], $0xF7A  }
0x23: {  	s9 =	sor.u32 $0xD0000000, s2;
	s6 =	simm.s32 $0x108;
	_ =	swait.ge @!p0 [sflag:s8], $0x0  }
0x24: {  	s3 =	sadd.s32 $0x88, s3;
	s6 =	simm.s32 @!p1 $0x1082;
	[sflag:s4] =	ssyncset.s32 $0xFFFFF086  }
0x25: {  	[simem:s6], [sflag:s4] =	dma.local [hbm:s3], $0xF7A  }
0x26: {  	[smem:$0x3F9C] =	sst s1;
	(tag) =	ssettag s2;
	_ =	strace s9  }
0x27: {  	s1 =	sld [smem:$0x3FAC]  }
0x28: {  	s2 =	sld [smem:$0x3FAD]  }
0x29: {  	s4 =	sld [smem:$0x3FAF]  }
0x2a: {  	p0 =	seq.s32 s5, $0x0;
	s5 =	sld [smem:$0x3FB0]  }
0x2b: {  	s6 =	sld [smem:$0x3FB1]  }
0x2c: {  	s7 =	sld [smem:$0x3FB2]  }
0x2d: {  	s3 =	simm.s32 $0x108;
	s8 =	sld [smem:$0x3FB3]  }
0x2e: {  	s3 =	simm.s32 @!p0 $0x1082;
	s9 =	sld [smem:$0x3FB4]  }
0x2f: {  	lr =	sadd.s32 s0, s3;
	s0 =	sld [smem:$0x3FAB]  }
0x30: {  	s3 =	sld [smem:$0x3FAE]  }
0x31: {  	[smem:$0x3FB7] =	sst s10  }
0x32: {  	s10 =	sld [smem:$0x3FB5];
	_ =	sdelay $0x3  }
0x33: {  	p0 =	seq.s32 s10, $0x1;
	s10 =	sld [smem:$0x3FB7];
	_ =	sdelay $0x3  }
0x34: {  	[smem:$0x3FB7] =	sst s10  }
0x35: {  	s10 =	sld [smem:$0x3FB6];
	_ =	sdelay $0x3  }
0x36: {  	p1 =	seq.s32 s10, $0x1;
	s10 =	sld [smem:$0x3FB7];
	_ =	sdelay $0x3  }
0x37: {  	[smem:$0x3FB7] =	sst s10  }
0x38: {  	s10 =	sld [smem:$0x3FB8]  }
0x39: {  	_ = 	snop;
	(pc) =	sbr.ind lr, $3  }
0x3a: {  	_ = 	snop  }
0x3b: {  	_ = 	snop  }
0x3c: {  	p2 =	seq.s32 s10, $0x1;
	s10 =	sld [smem:$0x3FB7]  }
0x3d: {  	_ =	shalt  }
0x3e: {  	_ =	shalt  }
0x3f: {  	_ =	shalt  }
0x40: {  	_ =	shalt  }
0x41: {  	_ =	shalt  }
0x42: {  	_ =	shalt  }
0x43: {  	_ =	shalt  }
0x44: {  	_ =	shalt  }
0x45: {  	_ =	shalt  }
0x46: {  	_ =	shalt  }
0x47: {  	_ =	shalt  }
0x48: {  	_ =	shalt  }
0x49: {  	_ =	shalt  }
0x4a: {  	_ =	shalt  }
0x4b: {  	_ =	shalt  }
0x4c: {  	_ =	shalt  }
0x4d: {  	_ =	shalt  }
0x4e: {  	_ =	shalt  }
0x4f: {  	_ =	shalt  }
0x50: {  	_ =	shalt  }
0x51: {  	_ =	shalt  }
0x52: {  	_ =	shalt  }
0x53: {  	_ =	shalt  }
0x54: {  	_ =	shalt  }
0x55: {  	_ =	shalt  }
0x56: {  	_ =	shalt  }
0x57: {  	_ =	shalt  }
0x58: {  	_ =	shalt  }
0x59: {  	_ =	shalt  }
0x5a: {  	_ =	shalt  }
0x5b: {  	_ =	shalt  }
0x5c: {  	_ =	shalt  }
0x5d: {  	_ =	shalt  }
0x5e: {  	_ =	shalt  }
0x5f: {  	_ =	shalt  }
0x60: {  	_ =	shalt  }
0x61: {  	_ =	shalt  }
0x62: {  	_ =	shalt  }
0x63: {  	_ =	shalt  }
0x64: {  	_ =	shalt  }
0x65: {  	_ =	shalt  }
0x66: {  	_ =	shalt  }
0x67: {  	_ =	shalt  }
0x68: {  	_ =	shalt  }
0x69: {  	_ =	shalt  }
0x6a: {  	_ =	shalt  }
0x6b: {  	_ =	shalt  }
0x6c: {  	_ =	shalt  }
0x6d: {  	_ =	shalt  }
0x6e: {  	_ =	shalt  }
0x6f: {  	_ =	shalt  }
0x70: {  	_ =	shalt  }
0x71: {  	_ =	shalt  }
0x72: {  	_ =	shalt  }
0x73: {  	_ =	shalt  }
0x74: {  	_ =	shalt  }
0x75: {  	_ =	shalt  }
0x76: {  	_ =	shalt  }
0x77: {  	_ =	shalt  }
0x78: {  	_ =	shalt  }
0x79: {  	_ =	shalt  }
0x7a: {  	_ =	shalt  }
0x7b: {  	_ =	shalt  }
0x7c: {  	_ =	shalt  }
0x7d: {  	_ =	shalt  }
0x7e: {  	_ =	shalt  }
0x7f: {  	_ =	shalt  }
0x80: {  	_ =	shalt  }
0x81: {  	_ =	shalt  }
0x82: {  	_ =	shalt  }
0x83: {  	_ =	shalt  }
0x84: {  	_ =	shalt  }
0x85: {  	_ =	shalt  }
0x86: {  	_ =	shalt  }
0x87: {  	_ =	shalt  }
.Lfunc_end0:
.L_simem_size_0:
called_computation_lowered:
.L_overlay_start_0:
0x88: {  	s2 =	sld [smem:$0x3FD9]  }
0x89: {  	s3 =	sld [smem:$0x3FFE];
	_ =	sdelay $0x1  }
0x8a: {  	s1 =	srdreg.scid  }
0x8b: {  	s0 =	sand.u32 $0x1, s1  }
0x8c: {  	s14 =	sshll.u32 s0, $0xA;
	s2 =	sadd.s32 s3, s2  }
0x8d: {  	s2 =	sadd.s32 s2, s14  }
0x8e: {  	[smem:$0x3FC3] =	sst s2  }
0x8f: {  	_ = 	snop  }
0x90: {  	s2 =	sld [smem:$0x3FD0];
	_ =	sdelay $0x2  }
0x91: {  	s15 =	simm.s32 $0xA;
	s4 =	simm.s32 $0x10  }
0x92: {  	[smem:s4], [sflag:s15] =	dma.local [hbm:s2], $0x1  }
0x93: {  	_ =	swait.eq [sflag:s15], $0x1  }
0x94: {  	[sflag:s15] =	ssyncset.done $0x0  }
0x95: {  	s16 =	sld [smem:$0x10];
	[sflag:s15] =	ssyncadd.s32 $0xFFFFFFFF  }
0x96: {  	s17 =	sld [smem:$0x11];
	(tm) =	ssettm $0x1  }
0x97: {  	s18 =	sld [smem:$0x3FFB];
	_ =	sdelay $0x3  }
0x98: {  	_ =	strace s18  }
0x99: {  	s4 =	sld [smem:$0x3FFC];
	_ =	sdelay $0x3  }
0x9a: {  	_ =	strace s4  }
0x9b: {  	s4 =	sld [smem:$0x3FFD];
	_ =	sdelay $0x3  }
0x9c: {  	_ =	strace s4  }
0x9d: {  	_ =	strace $0x8FFFFFFF  }
0x9e: {  	s19 =	sld [smem:$0x3FDB];
	_ =	sdelay $0x1  }
0x9f: {  	s5 =	simm.s32 $_scs_section_size  }
0xa0: {  	s6 =	simm.s32 $_size__tile_overlayer_lowered;
	s7 =	simm.s32 $_tile_overlayer_lowered  }
0xa1: {  	s22 =	simm.s32 $0x1BFF;
	s21 =	sshll.u32 s7, $0x1;
	s4 =	sadd.s32 s5, s19  }
0xa2: {  	s8 =	simm.s32 $0x0;
	s20 =	sshll.u32 s6, $0x1;
	s6 =	sadd.s32 s21, s4  }
0xa3: {  	[timem:s8], [sflag:s22] =	dma.local [hbm:s6], s20  }
0xa4: {  	_ =	swait.ge [sflag:s22], s20  }
0xa5: {  	s5 =	ssub.s32 $0x0, s20;
	[sflag:s22] =	ssyncset.done $0x0  }
0xa6: {  	[sflag:s22] =	ssyncadd.s32 s5;
	_ =	sdelay $0x1  }
0xa7: {  	s23 =	simm.s32 $0x1B8B  }
0xa8: {  	_ =	swait.ge [sflag:s23], $0x1  }
0xa9: {  	[sflag:s23] =	ssyncset.done $0x0  }
0xaa: {  	s25 =	simm.s32 $0x1B8E;
	s24 =	sld [smem:$0x3FFE];
	[sflag:s23] =	ssyncadd.s32 $0xFFFFFFFF  }
0xab: {  	s26 =	simm.s32 $execute0_lowered;
	[smem:$0x3FD2] =	sst s25  }
0xac: {  	s6 =	sshll.u32 s26, $0x1;
	_ =	strace $0x80000046;
	[dreg:$0x1] =	wrdreg $0xFFFFFFFF  }
0xad: {  	s28 =	simm.s32 $_size_execute0_lowered;
	s4 =	sadd.s32 s4, s6;
	[dreg:$0x0] =	wrdreg $0x0  }
0xae: {  	s6 =	sshll.u32 s28, $0x1;
	[dreg:$0x2] =	wrdreg s4  }
0xaf: {  	[dreg:$0x3] =	wrdreg s6  }
0xb0: {  	[dreg:$0x4] =	wrdreg $0xC0  }
0xb1: {  	_ =	task [dreg:s8], $0x5FFFF  }
0xb2: {  	[dreg:$0x1] =	wrdreg $0xFFFFFFFF  }
0xb3: {  	[dreg:$0x0] =	wrdreg $0x60  }
0xb4: {  	[dreg:$0x2] =	wrdreg s16  }
0xb5: {  	[dreg:$0x3] =	wrdreg s17  }
0xb6: {  	[dreg:$0x4] =	wrdreg s24  }
0xb7: {  	[dreg:$0x5] =	wrdreg $0x9  }
0xb8: {  	_ =	task.clear_ibuf [dreg:s8], $0x6FFFF;
	_ =	strace $0x90000046  }
0xb9: {  	s29 =	simm.s32 $0x9;
	_ =	strace $0x80000048  }
0xba: {  	_ =	swait.ge [sflag:s29], $0x1  }
0xbb: {  	[sflag:s29] =	ssyncadd.s32 $0xFFFFFFFF  }
0xbc: {  	_ =	strace $0x90000048  }
0xbd: {  	_ =	sfence  }
0xbe: {  	s30 =	sld [smem:$0x0];
	_ =	sdelay $0x2  }
0xbf: {  	s31 =	sshll.u32 s1, $0xD;
	s1 =	sshrl.u32 s1, $0x2  }
0xc0: {  	s3 =	sand.u32 $0x4000, s31;
	s1 =	sadd.s32 s1, s30  }
0xc1: {  	s0 =	sor.u32 s3, s0;
	s1 =	sshll.u32 s1, $0x11  }
0xc2: {  	s0 =	sor.u32 s1, s0  }
0xc3: {  	s0 =	sadd.s32 $0x8F2B, s0  }
0xc4: {  	[sflag:s0] =	ssyncadd.remote.s32 $0x1  }
0xc5: {  	_ =	sfence.sel $0xFFFF  }
0xc6: {  	[dreg:$0x0] =	wrdreg $0xFFFFFFFF;
	(pc) =	sbr.abs _section_cstart, $3  }
0xc7: {  	[dreg:$0x1] =	wrdreg $0xFFFFFFFF  }
0xc8: {  	_ =	task.clear_ibuf [dreg:s8], $0x2FFFF;
	_ =	strace $0x9FFFFFFF  }
0xc9: {  	(tm) =	ssettm $0x7FFFFFFF  }
tec
execute0_lowered:
.L_overlay_start_1:
0x0: {  	(tag) =	ssettag $0x1  }
0x1: {  	s1 =	rddreg [dreg:$0x0]  }
0x2: {  	s4 =	rddreg [dreg:$0x1];
	s2 =	srdreg.scid  }
0x3: {  	s0 =	stileid.u32;
	s5 =	rddreg [dreg:$0x2]  }
0x4: {  	s3 =	simm.s32 $0x0;
	s11 =	simm.s32 $0x80;
	s12 =	simm.s32 $0x1900  }
0x5: {  	s13 =	simm.s32 $0x2900;
	s6 =	sand.u32 $0x1, s2;
	s7 =	sshll.u32 s0, $0x1  }
0x6: {  	s14 =	simm.s32 $0x1;
	s15 =	simm.s32 $0x2;
	s7 =	sor.u32 s6, s7  }
0x7: {  	s16 =	simm.s32 $0x0;
	[smem:$0x7FF] =	sst s3;
	s7 =	smul.u32 $0xC80, s7  }
0x8: {  	s2 =	rddreg [dreg:$0x3];
	s8 =	smul.u32 $0x6400, s0;
	_ =	strace $0x80000047  }
0x9: {  	s9 =	ssub.s32 $0x2, s6;
	s6 =	smul.u32 $0x3200, s6;
	s7 =	sshrl.u32 s7, $0x3  }
0xa: {  	s30 =	sshrl.u32 s9, $0x1;
	s10 =	sadd.s32 s7, s5;
	s5 =	sadd.s32 s8, s5  }
0xb: {  	s8 =	ssub.s32 s9, s30;
	s4 =	sadd.s32 s4, s7;
	s9 =	simm.s32 $0x3  }
0xc: {  	s31 =	sadd.s32 s6, s5;
	s5 =	sadd.s32 $0x1C00, s10;
	s6 =	smax.u32 s8, $0x1  }
0xd: {  	s10 =	simm.s32 $0xC80;
	s7 =	sadd.s32 $0x4E00, s31;
	s8 =	sadd.s32 $0x68E00, s31  }
.LBB2_1:
0xe: {  	[tilespmem:s3], [sflag:$0x3] =	stream.linear.gather [hbm4b:s4+s3], $0xC80, $0x38;
	[tilespmem:$0x3900] =	vst v63  }
0xf: {  	_ =	swait.ge [sflag:s9], $0xC80  }
0x10: {  	[sflag:s9] =	ssyncset.done $0x0  }
0x11: {  	[sflag:s9] =	ssyncadd.s32 $0xFFFFF380  }
0x12: {  	[tilespmem:s10], [sflag:$0x3] =	stream.linear.gather [hbm4b:s5+s3], $0xC80, $0x38;
	[tilespmem:$0x3900] =	vst v63  }
0x13: {  	_ =	swait.ge [sflag:s9], $0xC80  }
0x14: {  	[sflag:s9] =	ssyncset.done $0x0  }
0x15: {  	s17 =	simm.s32 $0x0;
	[sflag:s9] =	ssyncadd.s32 $0xFFFFF380  }
0x16: {  	[tilespmem:s12], [sflag:$0x1] =	stream.indirect.gather [hbm4b:s1+s11], $0x20, s17, s11, $0xb8;
	[tilespmem:$0x3900] =	vst v63  }
0x17: {  	s29 =	simm.s32 $0xC80  }
0x18: {  	[tilespmem:s13], [sflag:$0x2] =	stream.indirect.gather [hbm4b:s1+s11], $0x20, s29, s11, $0xb8;
	[tilespmem:$0x3900] =	vst v63  }
0x19: {  	_ =	swait.ge [sflag:s14], $0x1000  }
0x1a: {  	[sflag:s14] =	ssyncset.done $0x0  }
0x1b: {  	[sflag:s14] =	ssyncadd.s32 $0xFFFFF000  }
0x1c: {  	_ =	swait.ge [sflag:s15], $0x1000  }
0x1d: {  	[sflag:s15] =	ssyncset.done $0x0  }
0x1e: {  	s30 =	sadd.s32 $0x0, s8;
	[sflag:s15] =	ssyncadd.s32 $0xFFFFF000  }
0x1f: {  	[hbm4b:s30+s3] =	stream.linear.scatter [tilespmem:s12], [sflag:$0x3], $0x1000, $0x38;
	[tilespmem:$0x3900] =	vst v63  }
0x20: {  	_ =	swait.ge [sflag:s9], $0x1000  }
0x21: {  	[sflag:s9] =	ssyncset.done $0x0  }
0x22: {  	s31 =	sadd.s32 $0x0, s7;
	[sflag:s9] =	ssyncadd.s32 $0xFFFFF000  }
0x23: {  	[hbm4b:s31+s3] =	stream.linear.scatter [tilespmem:s13], [sflag:$0x3], $0x1000, $0x38;
	[tilespmem:$0x3900] =	vst v63  }
0x24: {  	_ =	swait.ge [sflag:s9], $0x1000  }
0x25: {  	s18 =	simm.s32 $0x400;
	s17 =	simm.s32 $0x200;
	[sflag:s9] =	ssyncset.done $0x0  }
.LBB2_2:
0x26: {  	s19 =	sshra.s32 s17, $0x2  }
0x27: {  	[sflag:s9] =	ssyncadd.s32 $0xFFFFF000;
	s20 =	smov.u32 s18;
	s21 =	sadd.s32 $0x200, s18  }
0x28: {  	[tilespmem:s12], [sflag:$0x1] =	stream.indirect.gather [hbm4b:s1+s11], $0x20, s19, s11, $0xb8;
	[tilespmem:$0x3900] =	vst v63  }
0x29: {  	p0 =	sne.s32 s18, $0x3000;
	s18 =	sadd.s32 $0xC80, s19  }
0x2a: {  	[tilespmem:s13], [sflag:$0x2] =	stream.indirect.gather [hbm4b:s1+s11], $0x20, s18, s11, $0xb8;
	[tilespmem:$0x3900] =	vst v63  }
0x2b: {  	_ =	swait.ge [sflag:s14], $0x1000  }
0x2c: {  	[sflag:s14] =	ssyncset.done $0x0  }
0x2d: {  	[sflag:s14] =	ssyncadd.s32 $0xFFFFF000  }
0x2e: {  	_ =	swait.ge [sflag:s15], $0x1000  }
0x2f: {  	[sflag:s15] =	ssyncset.done $0x0  }
0x30: {  	s18 =	sadd.s32 s17, s8;
	[sflag:s15] =	ssyncadd.s32 $0xFFFFF000  }
0x31: {  	[hbm4b:s18+s3] =	stream.linear.scatter [tilespmem:s12], [sflag:$0x3], $0x1000, $0x38;
	[tilespmem:$0x3900] =	vst v63  }
0x32: {  	_ =	swait.ge [sflag:s9], $0x1000  }
.Ltmp0:
0x33: {  	[sflag:s9] =	ssyncset.done $0x0;
	(pc) =	sbr.rel @p0 .LBB2_2-.Ltmp0, $4  }
0x34: {  	s18 =	sadd.s32 s17, s7;
	s17 =	smov.u32 s20;
	[sflag:s9] =	ssyncadd.s32 $0xFFFFF000  }
0x35: {  	[hbm4b:s18+s3] =	stream.linear.scatter [tilespmem:s13], [sflag:$0x3], $0x1000, $0x38;
	[tilespmem:$0x3900] =	vst v63  }
0x36: {  	_ =	swait.ge [sflag:s9], $0x1000  }
0x37: {  	s18 =	smov.u32 s21;
	[sflag:s9] =	ssyncset.done $0x0  }
0x38: {  	s18 =	sshra.s32 s17, $0x2;
	[sflag:s9] =	ssyncadd.s32 $0xFFFFF000  }
0x39: {  	[tilespmem:s12], [sflag:$0x1] =	stream.indirect.gather [hbm4b:s1+s11], $0x20, s18, s11, $0xb8;
	[tilespmem:$0x3900] =	vst v63  }
0x3a: {  	s18 =	sadd.s32 $0xC80, s18  }
0x3b: {  	[tilespmem:s13], [sflag:$0x2] =	stream.indirect.gather [hbm4b:s1+s11], $0x20, s18, s11, $0xb8;
	[tilespmem:$0x3900] =	vst v63  }
0x3c: {  	_ =	swait.ge [sflag:s14], $0x1000  }
0x3d: {  	[sflag:s14] =	ssyncset.done $0x0  }
0x3e: {  	[sflag:s14] =	ssyncadd.s32 $0xFFFFF000  }
0x3f: {  	_ =	swait.ge [sflag:s15], $0x1000  }
0x40: {  	[sflag:s15] =	ssyncset.done $0x0  }
0x41: {  	s30 =	sadd.s32 s17, s8;
	[sflag:s15] =	ssyncadd.s32 $0xFFFFF000  }
0x42: {  	[hbm4b:s30+s3] =	stream.linear.scatter [tilespmem:s12], [sflag:$0x3], $0x1000, $0x38;
	[tilespmem:$0x3900] =	vst v63  }
0x43: {  	s16 =	sadd.s32 $0x1, s16;
	_ =	swait.ge [sflag:s9], $0x1000  }
0x44: {  	p0 =	sne.s32 s16, s6;
	[sflag:s9] =	ssyncset.done $0x0  }
.Ltmp1:
0x45: {  	s31 =	sadd.s32 s17, s7;
	[sflag:s9] =	ssyncadd.s32 $0xFFFFF000;
	(pc) =	sbr.rel @p0 .LBB2_1-.Ltmp1, $4  }
0x46: {  	[hbm4b:s31+s3] =	stream.linear.scatter [tilespmem:s13], [sflag:$0x3], $0x1000, $0x38;
	[tilespmem:$0x3900] =	vst v63  }
0x47: {  	_ =	swait.ge [sflag:s9], $0x1000  }
0x48: {  	[sflag:s9] =	ssyncset.done $0x0  }
0x49: {  	[sflag:s9] =	ssyncadd.s32 $0xFFFFF000  }
0x4a: {  	_ =	sfence.sel $0x180000  }
0x4b: {  	[bflag:$0x0] =	sbarrier.arrive $0xFFFF  }
0x4c: {  	p0 =	sne.s32 s0, $0x0;
	_ =	strace $0x90000047  }
0x4d: {  	s0 =	sadd.s32 @!p0 $0x100000, s2;
	[bflag:$0x2] =	sbarrier.arrive $0xFFFF  }
0x4e: {  	[sflag:s0] =	ssyncadd.tile.s32 @!p0 $0x1;
	_ =	shalt  }
.Lfunc_end2:
_tile_overlayer_lowered:
.L_overlay_start_2:
0x4f: {  	(tag) =	ssettag $0x2  }
0x50: {  	s0 =	rddreg [dreg:$0x0];
	s2 =	stileid.u32  }
0x51: {  	s1 =	rddreg [dreg:$0x1];
	p0 =	sne.s32 s2, $0x0  }
0x52: {  	s3 =	rddreg [dreg:$0x2];
	[bflag:$0x3] =	sbarrier.arrive $0xFFFF;
	s2 =	simm.s32 @!p0 $0x1C03  }
0x53: {  	[timem:s3], [sflag:s2] =	dma.local @!p0 [hbm:s0], s1  }
0x54: {  	s0 =	simm.s32 @!p0 $0x3  }
0x55: {  	_ =	swait.ge @!p0 [sflag:s0], s1  }
0x56: {  	s1 =	ssub.s32 @!p0 $0x0, s1;
	[sflag:s0] =	ssyncset.done @!p0 $0x0  }
0x57: {  	[sflag:s0] =	ssyncadd.s32 @!p0 s1  }
0x58: {  	[bflag:$0x3] =	sbarrier.arrive $0xFFFF  }
0x59: {  	_ =	shalt  }

</sc_bundles>
